<compile_context>
chip_gen: v7x
topology: tpu7x:2x2x1
jax: 0.10.2.dev20260603
libtpu: 0.0.44.dev20260713+nightly
codegen_flags: <defaults>
</compile_context>

<pallas_src>
import functools

import jax
import jax.numpy as jnp
from jax import lax
from jax.experimental import pallas as pl
from jax.experimental.pallas import tpu as pltpu
from jax.experimental.pallas import tpu_sc as plsc

_NBUF = 4


@functools.lru_cache(maxsize=None)
def _make_gather(B, D, chunk):
    info = plsc.get_sparse_core_info()
    nc, ns = info.num_cores, info.num_subcores
    nw = nc * ns
    assert B % nw == 0
    b_per_w = B // nw
    assert b_per_w % (chunk * _NBUF) == 0
    n_groups = b_per_w // (chunk * _NBUF)
    mesh = plsc.VectorSubcoreMesh(core_axis_name="c", subcore_axis_name="s")

    @functools.partial(
        pl.kernel,
        mesh=mesh,
        out_type=jax.ShapeDtypeStruct((B, D), jnp.float32),
        compiler_params=pltpu.CompilerParams(use_tc_tiling_on_sc=False),
        scratch_types=[
            pltpu.VMEM((b_per_w,), jnp.int32),
            pltpu.VMEM((_NBUF, chunk, D), jnp.float32),
        ]
        + [pltpu.SemaphoreType.DMA] * (2 * _NBUF),
    )
    def k(idx_hbm, table_hbm, out_hbm, idx_v, rows_v, *sems):
        gsem, wsem = sems[:_NBUF], sems[_NBUF:]
        wid = lax.axis_index("s") * nc + lax.axis_index("c")
        base = wid * b_per_w
        pltpu.sync_copy(idx_hbm.at[pl.ds(base, b_per_w)], idx_v)

        def gather(off, b):
            return pltpu.make_async_copy(
                table_hbm.at[idx_v.at[pl.ds(off, chunk)]], rows_v.at[b], gsem[b]
            )

        def write(off, b):
            return pltpu.make_async_copy(
                rows_v.at[b], out_hbm.at[pl.ds(base + off, chunk)], wsem[b]
            )

        for b in range(_NBUF):
            gather(b * chunk, b).start()

        def body(p, _):
            for b in range(_NBUF):
                off = (p * _NBUF + b) * chunk
                gather(off, b).wait()
                write(off, b).start()
            for b in range(_NBUF):
                off = (p * _NBUF + b) * chunk
                noff = ((p + 1) * _NBUF + b) * chunk
                write(off, b).wait()
                gather(noff, b).start()
            return 0

        lax.fori_loop(0, n_groups - 1, body, 0)

        last = (n_groups - 1) * _NBUF
        for b in range(_NBUF):
            off = (last + b) * chunk
            gather(off, b).wait()
            write(off, b).start()
        for b in range(_NBUF):
            off = (last + b) * chunk
            write(off, b).wait()

    return k


def kernel(inputs, table):
    batch, hist = inputs.shape
    dim = table.shape[1]
    idx = inputs.reshape(-1).astype(jnp.int32)
    out = _make_gather(idx.shape[0], dim, 256)(idx, table)
    return out.reshape(batch, hist, dim)

# --- scband reference (transcript-rebuilt; emitter-appended) ---
"""Pipeline reference for scband-embeds-25048249270861 (READ-ONLY COPY).

The authoritative reference and input builder live on the scoring server;
editing this copy changes nothing except your own understanding.
"""

import jax, jax.numpy as jnp
import numpy as np

VOCAB = 1000000
DIM = 64
BATCH = 16384
HIST = 50

def setup_inputs(seed: int = 0) -> dict:
    key = jax.random.key(seed)
    k_idx, k_tab = jax.random.split(key)
    inputs = jax.random.randint(k_idx, (BATCH, HIST), 0, VOCAB, dtype=jnp.int64)
    table = jax.random.normal(k_tab, (VOCAB, DIM), dtype=jnp.float32)
    # padding_idx=0: row 0 is zeros, as in nn.Embedding(padding_idx=0)
    table = table.at[0].set(0.0)
    return {"inputs": inputs, "table": table}

def reference(inputs, table):
    # nn.Embedding forward: plain gather of rows
    return jnp.take(table, inputs, axis=0)

if __name__ == "__main__":
    import jax
    _d = setup_inputs()
    print(jax.jit(kernel)(*tuple(_d.values())))

</pallas_src>

<mosaic_0001>
#map = affine_map<(d0, d1) -> (0)>
#map1 = affine_map<(d0, d1) -> (0, 0)>
module attributes {stable_mosaic.version = 14 : i64} {
  func.func @k(%arg0: i32, %arg1: i32, %arg2: memref<819200xi32, #tpu.memory_space<hbm>>, %arg3: memref<1000000x64xf32, #tpu.memory_space<hbm>>, %arg4: memref<819200x64xf32, #tpu.memory_space<hbm>>, %arg5: memref<25600xi32, #tpu.memory_space<vmem>>, %arg6: memref<4x256x64xf32, #tpu.memory_space<vmem>>, %arg7: memref<!tpu.dma_semaphore, #tpu.memory_space<semaphore_mem>>, %arg8: memref<!tpu.dma_semaphore, #tpu.memory_space<semaphore_mem>>, %arg9: memref<!tpu.dma_semaphore, #tpu.memory_space<semaphore_mem>>, %arg10: memref<!tpu.dma_semaphore, #tpu.memory_space<semaphore_mem>>, %arg11: memref<!tpu.dma_semaphore, #tpu.memory_space<semaphore_mem>>, %arg12: memref<!tpu.dma_semaphore, #tpu.memory_space<semaphore_mem>>, %arg13: memref<!tpu.dma_semaphore, #tpu.memory_space<semaphore_mem>>, %arg14: memref<!tpu.dma_semaphore, #tpu.memory_space<semaphore_mem>>) attributes {dimension_semantics = [#tpu.dimension_semantics<core_parallel>, #tpu.dimension_semantics<subcore_parallel>], iteration_bounds = array<i64: 2, 16>, scalar_prefetch = 0 : i64, scratch_operands = 10 : i64, tpu.core_type = #tpu.core_type<sc_vector_subcore>, window_params = [{transform_indices = #map}, {transform_indices = #map1}, {transform_indices = #map1}]} {
    %mul3A = arith.constant 2 : i32
    %mul3A_0 = arith.muli %arg1, %mul3A : i32
    %add3A = arith.addi %mul3A_0, %arg0 : i32
    %mul3A_1 = arith.constant 25600 : i32
    %mul3A_2 = arith.muli %add3A, %mul3A_1 : i32
    "tpu.region"() ({
      %run_scoped3A = tpu.sem_alloc : memref<!tpu.dma_semaphore, #tpu.memory_space<semaphore_mem>>
      %dma_start3A_207 = tpu.memref_slice %arg2[%mul3A_2] : memref<819200xi32, #tpu.memory_space<hbm>> -> memref<25600xi32, #tpu.memory_space<hbm>>
      %dma_start3A_208 = tpu.memref_slice %arg2[%mul3A_2] : memref<819200xi32, #tpu.memory_space<hbm>> -> memref<25600xi32, #tpu.memory_space<hbm>>
      tpu.enqueue_dma source(%dma_start3A_208 : memref<25600xi32, #tpu.memory_space<hbm>>) target(%arg5 : memref<25600xi32, #tpu.memory_space<vmem>>) target_semaphore(%run_scoped3A : memref<!tpu.dma_semaphore, #tpu.memory_space<semaphore_mem>>)
      %dma_wait3A_209 = tpu.memref_slice %arg2[%mul3A_2] : memref<819200xi32, #tpu.memory_space<hbm>> -> memref<25600xi32, #tpu.memory_space<hbm>>
      %dma_wait3A_210 = tpu.memref_slice %arg2[%mul3A_2] : memref<819200xi32, #tpu.memory_space<hbm>> -> memref<25600xi32, #tpu.memory_space<hbm>>
      tpu.wait_dma2 semaphore(%run_scoped3A : memref<!tpu.dma_semaphore, #tpu.memory_space<semaphore_mem>>) src(%dma_wait3A_210 : memref<25600xi32, #tpu.memory_space<hbm>>) dst(%arg5 : memref<25600xi32, #tpu.memory_space<vmem>>)
      tpu.yield
    }) : () -> ()
    %dma_start3A = arith.constant 0 : i32
    %dma_start3A_3 = arith.constant 0 : i32
    %dma_start3A_4 = arith.constant 0 : i32
    %dma_start3A_5 = tpu.memref_slice %arg6[%dma_start3A, %dma_start3A_3, %dma_start3A_4] : memref<4x256x64xf32, #tpu.memory_space<vmem>> -> memref<1x256x64xf32, #tpu.memory_space<vmem>>
    %dma_start3A_6 = tpu.memref_squeeze %dma_start3A_5 : memref<1x256x64xf32, #tpu.memory_space<vmem>> -> memref<256x64xf32, #tpu.memory_space<vmem>>
    %dma_start3A_7 = arith.constant 0 : i32
    %dma_start3A_8 = tpu.memref_slice %arg5[%dma_start3A_7] : memref<25600xi32, #tpu.memory_space<vmem>> -> memref<256xi32, #tpu.memory_space<vmem>>
    %dma_start3A_9 = arith.constant 0 : i32
    %dma_start3A_10 = arith.constant 0 : i32
    %dma_start3A_11 = tpu.memref_slice %arg3[%dma_start3A_9, %dma_start3A_10] : memref<1000000x64xf32, #tpu.memory_space<hbm>> -> memref<1000000x64xf32, #tpu.memory_space<hbm>>
    tpu.enqueue_indirect_dma source(%dma_start3A_11 : memref<1000000x64xf32, #tpu.memory_space<hbm>>) target(%dma_start3A_6 : memref<256x64xf32, #tpu.memory_space<vmem>>) offsets(%dma_start3A_8 : memref<256xi32, #tpu.memory_space<vmem>>) semaphore(%arg7 : memref<!tpu.dma_semaphore, #tpu.memory_space<semaphore_mem>>)
    %dma_start3A_12 = arith.constant 1 : i32
    %dma_start3A_13 = arith.constant 0 : i32
    %dma_start3A_14 = arith.constant 0 : i32
    %dma_start3A_15 = tpu.memref_slice %arg6[%dma_start3A_12, %dma_start3A_13, %dma_start3A_14] : memref<4x256x64xf32, #tpu.memory_space<vmem>> -> memref<1x256x64xf32, #tpu.memory_space<vmem>>
    %dma_start3A_16 = tpu.memref_squeeze %dma_start3A_15 : memref<1x256x64xf32, #tpu.memory_space<vmem>> -> memref<256x64xf32, #tpu.memory_space<vmem>>
    %dma_start3A_17 = arith.constant 256 : i32
    %dma_start3A_18 = tpu.memref_slice %arg5[%dma_start3A_17] : memref<25600xi32, #tpu.memory_space<vmem>> -> memref<256xi32, #tpu.memory_space<vmem>>
    %dma_start3A_19 = arith.constant 0 : i32
    %dma_start3A_20 = arith.constant 0 : i32
    %dma_start3A_21 = tpu.memref_slice %arg3[%dma_start3A_19, %dma_start3A_20] : memref<1000000x64xf32, #tpu.memory_space<hbm>> -> memref<1000000x64xf32, #tpu.memory_space<hbm>>
    tpu.enqueue_indirect_dma source(%dma_start3A_21 : memref<1000000x64xf32, #tpu.memory_space<hbm>>) target(%dma_start3A_16 : memref<256x64xf32, #tpu.memory_space<vmem>>) offsets(%dma_start3A_18 : memref<256xi32, #tpu.memory_space<vmem>>) semaphore(%arg8 : memref<!tpu.dma_semaphore, #tpu.memory_space<semaphore_mem>>)
    %dma_start3A_22 = arith.constant 2 : i32
    %dma_start3A_23 = arith.constant 0 : i32
    %dma_start3A_24 = arith.constant 0 : i32
    %dma_start3A_25 = tpu.memref_slice %arg6[%dma_start3A_22, %dma_start3A_23, %dma_start3A_24] : memref<4x256x64xf32, #tpu.memory_space<vmem>> -> memref<1x256x64xf32, #tpu.memory_space<vmem>>
    %dma_start3A_26 = tpu.memref_squeeze %dma_start3A_25 : memref<1x256x64xf32, #tpu.memory_space<vmem>> -> memref<256x64xf32, #tpu.memory_space<vmem>>
    %dma_start3A_27 = arith.constant 512 : i32
    %dma_start3A_28 = tpu.memref_slice %arg5[%dma_start3A_27] : memref<25600xi32, #tpu.memory_space<vmem>> -> memref<256xi32, #tpu.memory_space<vmem>>
    %dma_start3A_29 = arith.constant 0 : i32
    %dma_start3A_30 = arith.constant 0 : i32
    %dma_start3A_31 = tpu.memref_slice %arg3[%dma_start3A_29, %dma_start3A_30] : memref<1000000x64xf32, #tpu.memory_space<hbm>> -> memref<1000000x64xf32, #tpu.memory_space<hbm>>
    tpu.enqueue_indirect_dma source(%dma_start3A_31 : memref<1000000x64xf32, #tpu.memory_space<hbm>>) target(%dma_start3A_26 : memref<256x64xf32, #tpu.memory_space<vmem>>) offsets(%dma_start3A_28 : memref<256xi32, #tpu.memory_space<vmem>>) semaphore(%arg9 : memref<!tpu.dma_semaphore, #tpu.memory_space<semaphore_mem>>)
    %dma_start3A_32 = arith.constant 3 : i32
    %dma_start3A_33 = arith.constant 0 : i32
    %dma_start3A_34 = arith.constant 0 : i32
    %dma_start3A_35 = tpu.memref_slice %arg6[%dma_start3A_32, %dma_start3A_33, %dma_start3A_34] : memref<4x256x64xf32, #tpu.memory_space<vmem>> -> memref<1x256x64xf32, #tpu.memory_space<vmem>>
    %dma_start3A_36 = tpu.memref_squeeze %dma_start3A_35 : memref<1x256x64xf32, #tpu.memory_space<vmem>> -> memref<256x64xf32, #tpu.memory_space<vmem>>
    %dma_start3A_37 = arith.constant 768 : i32
    %dma_start3A_38 = tpu.memref_slice %arg5[%dma_start3A_37] : memref<25600xi32, #tpu.memory_space<vmem>> -> memref<256xi32, #tpu.memory_space<vmem>>
    %dma_start3A_39 = arith.constant 0 : i32
    %dma_start3A_40 = arith.constant 0 : i32
    %dma_start3A_41 = tpu.memref_slice %arg3[%dma_start3A_39, %dma_start3A_40] : memref<1000000x64xf32, #tpu.memory_space<hbm>> -> memref<1000000x64xf32, #tpu.memory_space<hbm>>
    tpu.enqueue_indirect_dma source(%dma_start3A_41 : memref<1000000x64xf32, #tpu.memory_space<hbm>>) target(%dma_start3A_36 : memref<256x64xf32, #tpu.memory_space<vmem>>) offsets(%dma_start3A_38 : memref<256xi32, #tpu.memory_space<vmem>>) semaphore(%arg10 : memref<!tpu.dma_semaphore, #tpu.memory_space<semaphore_mem>>)
    %scan3A = arith.constant 0 : i32
    %scan3A_42 = arith.constant 0 : i32
    %scan3A_43 = arith.constant 24 : i32
    %scan3A_44 = arith.addi %scan3A_42, %scan3A_43 : i32
    %scan3A_45 = arith.constant 1 : i32
    %scan3A_46 = scf.for %scan3A_207 = %scan3A_42 to %scan3A_44 step %scan3A_45 iter_args(%scan3A_208 = %scan3A) -> (i32)  : i32 {
      %mul3A_209 = arith.constant 4 : i32
      %mul3A_210 = arith.muli %scan3A_207, %mul3A_209 : i32
      %add3A_211 = arith.constant 0 : i32
      %add3A_212 = arith.addi %mul3A_210, %add3A_211 : i32
      %mul3A_213 = arith.constant 256 : i32
      %mul3A_214 = arith.muli %add3A_212, %mul3A_213 : i32
      %dma_wait3A_215 = arith.constant 0 : i32
      %dma_wait3A_216 = arith.constant 0 : i32
      %dma_wait3A_217 = arith.constant 0 : i32
      %dma_wait3A_218 = tpu.memref_slice %arg6[%dma_wait3A_215, %dma_wait3A_216, %dma_wait3A_217] : memref<4x256x64xf32, #tpu.memory_space<vmem>> -> memref<1x256x64xf32, #tpu.memory_space<vmem>>
      %dma_wait3A_219 = tpu.memref_squeeze %dma_wait3A_218 : memref<1x256x64xf32, #tpu.memory_space<vmem>> -> memref<256x64xf32, #tpu.memory_space<vmem>>
      %dma_wait3A_220 = tpu.memref_slice %arg5[%mul3A_214] : memref<25600xi32, #tpu.memory_space<vmem>> -> memref<256xi32, #tpu.memory_space<vmem>>
      %dma_wait3A_221 = arith.constant 0 : i32
      %dma_wait3A_222 = arith.constant 0 : i32
      %dma_wait3A_223 = tpu.memref_slice %arg3[%dma_wait3A_221, %dma_wait3A_222] : memref<1000000x64xf32, #tpu.memory_space<hbm>> -> memref<1000000x64xf32, #tpu.memory_space<hbm>>
      tpu.wait_indirect_dma semaphore(%arg7 : memref<!tpu.dma_semaphore, #tpu.memory_space<semaphore_mem>>) src(%dma_wait3A_223 : memref<1000000x64xf32, #tpu.memory_space<hbm>>) dst(%dma_wait3A_219 : memref<256x64xf32, #tpu.memory_space<vmem>>)
      %add3A_224 = arith.addi %mul3A_2, %mul3A_214 : i32
      %dma_start3A_225 = arith.constant 0 : i32
      %dma_start3A_226 = arith.constant 0 : i32
      %dma_start3A_227 = arith.constant 0 : i32
      %dma_start3A_228 = tpu.memref_slice %arg6[%dma_start3A_225, %dma_start3A_226, %dma_start3A_227] : memref<4x256x64xf32, #tpu.memory_space<vmem>> -> memref<1x256x64xf32, #tpu.memory_space<vmem>>
      %dma_start3A_229 = tpu.memref_squeeze %dma_start3A_228 : memref<1x256x64xf32, #tpu.memory_space<vmem>> -> memref<256x64xf32, #tpu.memory_space<vmem>>
      %dma_start3A_230 = arith.constant 0 : i32
      %dma_start3A_231 = tpu.memref_slice %arg4[%add3A_224, %dma_start3A_230] : memref<819200x64xf32, #tpu.memory_space<hbm>> -> memref<256x64xf32, #tpu.memory_space<hbm>>
      %dma_start3A_232 = arith.constant 0 : i32
      %dma_start3A_233 = tpu.memref_slice %arg4[%add3A_224, %dma_start3A_232] : memref<819200x64xf32, #tpu.memory_space<hbm>> -> memref<256x64xf32, #tpu.memory_space<hbm>>
      %dma_start3A_234 = arith.constant 0 : i32
      %dma_start3A_235 = arith.constant 0 : i32
      %dma_start3A_236 = tpu.memref_slice %arg6[%dma_start3A_225, %dma_start3A_234, %dma_start3A_235] : memref<4x256x64xf32, #tpu.memory_space<vmem>> -> memref<1x256x64xf32, #tpu.memory_space<vmem>>
      %dma_start3A_237 = tpu.memref_squeeze %dma_start3A_236 : memref<1x256x64xf32, #tpu.memory_space<vmem>> -> memref<256x64xf32, #tpu.memory_space<vmem>>
      tpu.enqueue_dma source(%dma_start3A_237 : memref<256x64xf32, #tpu.memory_space<vmem>>) target(%dma_start3A_233 : memref<256x64xf32, #tpu.memory_space<hbm>>) target_semaphore(%arg11 : memref<!tpu.dma_semaphore, #tpu.memory_space<semaphore_mem>>)
      %mul3A_238 = arith.constant 4 : i32
      %mul3A_239 = arith.muli %scan3A_207, %mul3A_238 : i32
      %add3A_240 = arith.constant 1 : i32
      %add3A_241 = arith.addi %mul3A_239, %add3A_240 : i32
      %mul3A_242 = arith.constant 256 : i32
      %mul3A_243 = arith.muli %add3A_241, %mul3A_242 : i32
      %dma_wait3A_244 = arith.constant 1 : i32
      %dma_wait3A_245 = arith.constant 0 : i32
      %dma_wait3A_246 = arith.constant 0 : i32
      %dma_wait3A_247 = tpu.memref_slice %arg6[%dma_wait3A_244, %dma_wait3A_245, %dma_wait3A_246] : memref<4x256x64xf32, #tpu.memory_space<vmem>> -> memref<1x256x64xf32, #tpu.memory_space<vmem>>
      %dma_wait3A_248 = tpu.memref_squeeze %dma_wait3A_247 : memref<1x256x64xf32, #tpu.memory_space<vmem>> -> memref<256x64xf32, #tpu.memory_space<vmem>>
      %dma_wait3A_249 = tpu.memref_slice %arg5[%mul3A_243] : memref<25600xi32, #tpu.memory_space<vmem>> -> memref<256xi32, #tpu.memory_space<vmem>>
      %dma_wait3A_250 = arith.constant 0 : i32
      %dma_wait3A_251 = arith.constant 0 : i32
      %dma_wait3A_252 = tpu.memref_slice %arg3[%dma_wait3A_250, %dma_wait3A_251] : memref<1000000x64xf32, #tpu.memory_space<hbm>> -> memref<1000000x64xf32, #tpu.memory_space<hbm>>
      tpu.wait_indirect_dma semaphore(%arg8 : memref<!tpu.dma_semaphore, #tpu.memory_space<semaphore_mem>>) src(%dma_wait3A_252 : memref<1000000x64xf32, #tpu.memory_space<hbm>>) dst(%dma_wait3A_248 : memref<256x64xf32, #tpu.memory_space<vmem>>)
      %add3A_253 = arith.addi %mul3A_2, %mul3A_243 : i32
      %dma_start3A_254 = arith.constant 1 : i32
      %dma_start3A_255 = arith.constant 0 : i32
      %dma_start3A_256 = arith.constant 0 : i32
      %dma_start3A_257 = tpu.memref_slice %arg6[%dma_start3A_254, %dma_start3A_255, %dma_start3A_256] : memref<4x256x64xf32, #tpu.memory_space<vmem>> -> memref<1x256x64xf32, #tpu.memory_space<vmem>>
      %dma_start3A_258 = tpu.memref_squeeze %dma_start3A_257 : memref<1x256x64xf32, #tpu.memory_space<vmem>> -> memref<256x64xf32, #tpu.memory_space<vmem>>
      %dma_start3A_259 = arith.constant 0 : i32
      %dma_start3A_260 = tpu.memref_slice %arg4[%add3A_253, %dma_start3A_259] : memref<819200x64xf32, #tpu.memory_space<hbm>> -> memref<256x64xf32, #tpu.memory_space<hbm>>
      %dma_start3A_261 = arith.constant 0 : i32
      %dma_start3A_262 = tpu.memref_slice %arg4[%add3A_253, %dma_start3A_261] : memref<819200x64xf32, #tpu.memory_space<hbm>> -> memref<256x64xf32, #tpu.memory_space<hbm>>
      %dma_start3A_263 = arith.constant 0 : i32
      %dma_start3A_264 = arith.constant 0 : i32
      %dma_start3A_265 = tpu.memref_slice %arg6[%dma_start3A_254, %dma_start3A_263, %dma_start3A_264] : memref<4x256x64xf32, #tpu.memory_space<vmem>> -> memref<1x256x64xf32, #tpu.memory_space<vmem>>
      %dma_start3A_266 = tpu.memref_squeeze %dma_start3A_265 : memref<1x256x64xf32, #tpu.memory_space<vmem>> -> memref<256x64xf32, #tpu.memory_space<vmem>>
      tpu.enqueue_dma source(%dma_start3A_266 : memref<256x64xf32, #tpu.memory_space<vmem>>) target(%dma_start3A_262 : memref<256x64xf32, #tpu.memory_space<hbm>>) target_semaphore(%arg12 : memref<!tpu.dma_semaphore, #tpu.memory_space<semaphore_mem>>)
      %mul3A_267 = arith.constant 4 : i32
      %mul3A_268 = arith.muli %scan3A_207, %mul3A_267 : i32
      %add3A_269 = arith.constant 2 : i32
      %add3A_270 = arith.addi %mul3A_268, %add3A_269 : i32
      %mul3A_271 = arith.constant 256 : i32
      %mul3A_272 = arith.muli %add3A_270, %mul3A_271 : i32
      %dma_wait3A_273 = arith.constant 2 : i32
      %dma_wait3A_274 = arith.constant 0 : i32
      %dma_wait3A_275 = arith.constant 0 : i32
      %dma_wait3A_276 = tpu.memref_slice %arg6[%dma_wait3A_273, %dma_wait3A_274, %dma_wait3A_275] : memref<4x256x64xf32, #tpu.memory_space<vmem>> -> memref<1x256x64xf32, #tpu.memory_space<vmem>>
      %dma_wait3A_277 = tpu.memref_squeeze %dma_wait3A_276 : memref<1x256x64xf32, #tpu.memory_space<vmem>> -> memref<256x64xf32, #tpu.memory_space<vmem>>
      %dma_wait3A_278 = tpu.memref_slice %arg5[%mul3A_272] : memref<25600xi32, #tpu.memory_space<vmem>> -> memref<256xi32, #tpu.memory_space<vmem>>
      %dma_wait3A_279 = arith.constant 0 : i32
      %dma_wait3A_280 = arith.constant 0 : i32
      %dma_wait3A_281 = tpu.memref_slice %arg3[%dma_wait3A_279, %dma_wait3A_280] : memref<1000000x64xf32, #tpu.memory_space<hbm>> -> memref<1000000x64xf32, #tpu.memory_space<hbm>>
      tpu.wait_indirect_dma semaphore(%arg9 : memref<!tpu.dma_semaphore, #tpu.memory_space<semaphore_mem>>) src(%dma_wait3A_281 : memref<1000000x64xf32, #tpu.memory_space<hbm>>) dst(%dma_wait3A_277 : memref<256x64xf32, #tpu.memory_space<vmem>>)
      %add3A_282 = arith.addi %mul3A_2, %mul3A_272 : i32
      %dma_start3A_283 = arith.constant 2 : i32
      %dma_start3A_284 = arith.constant 0 : i32
      %dma_start3A_285 = arith.constant 0 : i32
      %dma_start3A_286 = tpu.memref_slice %arg6[%dma_start3A_283, %dma_start3A_284, %dma_start3A_285] : memref<4x256x64xf32, #tpu.memory_space<vmem>> -> memref<1x256x64xf32, #tpu.memory_space<vmem>>
      %dma_start3A_287 = tpu.memref_squeeze %dma_start3A_286 : memref<1x256x64xf32, #tpu.memory_space<vmem>> -> memref<256x64xf32, #tpu.memory_space<vmem>>
      %dma_start3A_288 = arith.constant 0 : i32
      %dma_start3A_289 = tpu.memref_slice %arg4[%add3A_282, %dma_start3A_288] : memref<819200x64xf32, #tpu.memory_space<hbm>> -> memref<256x64xf32, #tpu.memory_space<hbm>>
      %dma_start3A_290 = arith.constant 0 : i32
      %dma_start3A_291 = tpu.memref_slice %arg4[%add3A_282, %dma_start3A_290] : memref<819200x64xf32, #tpu.memory_space<hbm>> -> memref<256x64xf32, #tpu.memory_space<hbm>>
      %dma_start3A_292 = arith.constant 0 : i32
      %dma_start3A_293 = arith.constant 0 : i32
      %dma_start3A_294 = tpu.memref_slice %arg6[%dma_start3A_283, %dma_start3A_292, %dma_start3A_293] : memref<4x256x64xf32, #tpu.memory_space<vmem>> -> memref<1x256x64xf32, #tpu.memory_space<vmem>>
      %dma_start3A_295 = tpu.memref_squeeze %dma_start3A_294 : memref<1x256x64xf32, #tpu.memory_space<vmem>> -> memref<256x64xf32, #tpu.memory_space<vmem>>
      tpu.enqueue_dma source(%dma_start3A_295 : memref<256x64xf32, #tpu.memory_space<vmem>>) target(%dma_start3A_291 : memref<256x64xf32, #tpu.memory_space<hbm>>) target_semaphore(%arg13 : memref<!tpu.dma_semaphore, #tpu.memory_space<semaphore_mem>>)
      %mul3A_296 = arith.constant 4 : i32
      %mul3A_297 = arith.muli %scan3A_207, %mul3A_296 : i32
      %add3A_298 = arith.constant 3 : i32
      %add3A_299 = arith.addi %mul3A_297, %add3A_298 : i32
      %mul3A_300 = arith.constant 256 : i32
      %mul3A_301 = arith.muli %add3A_299, %mul3A_300 : i32
      %dma_wait3A_302 = arith.constant 3 : i32
      %dma_wait3A_303 = arith.constant 0 : i32
      %dma_wait3A_304 = arith.constant 0 : i32
      %dma_wait3A_305 = tpu.memref_slice %arg6[%dma_wait3A_302, %dma_wait3A_303, %dma_wait3A_304] : memref<4x256x64xf32, #tpu.memory_space<vmem>> -> memref<1x256x64xf32, #tpu.memory_space<vmem>>
      %dma_wait3A_306 = tpu.memref_squeeze %dma_wait3A_305 : memref<1x256x64xf32, #tpu.memory_space<vmem>> -> memref<256x64xf32, #tpu.memory_space<vmem>>
      %dma_wait3A_307 = tpu.memref_slice %arg5[%mul3A_301] : memref<25600xi32, #tpu.memory_space<vmem>> -> memref<256xi32, #tpu.memory_space<vmem>>
      %dma_wait3A_308 = arith.constant 0 : i32
      %dma_wait3A_309 = arith.constant 0 : i32
      %dma_wait3A_310 = tpu.memref_slice %arg3[%dma_wait3A_308, %dma_wait3A_309] : memref<1000000x64xf32, #tpu.memory_space<hbm>> -> memref<1000000x64xf32, #tpu.memory_space<hbm>>
      tpu.wait_indirect_dma semaphore(%arg10 : memref<!tpu.dma_semaphore, #tpu.memory_space<semaphore_mem>>) src(%dma_wait3A_310 : memref<1000000x64xf32, #tpu.memory_space<hbm>>) dst(%dma_wait3A_306 : memref<256x64xf32, #tpu.memory_space<vmem>>)
      %add3A_311 = arith.addi %mul3A_2, %mul3A_301 : i32
      %dma_start3A_312 = arith.constant 3 : i32
      %dma_start3A_313 = arith.constant 0 : i32
      %dma_start3A_314 = arith.constant 0 : i32
      %dma_start3A_315 = tpu.memref_slice %arg6[%dma_start3A_312, %dma_start3A_313, %dma_start3A_314] : memref<4x256x64xf32, #tpu.memory_space<vmem>> -> memref<1x256x64xf32, #tpu.memory_space<vmem>>
      %dma_start3A_316 = tpu.memref_squeeze %dma_start3A_315 : memref<1x256x64xf32, #tpu.memory_space<vmem>> -> memref<256x64xf32, #tpu.memory_space<vmem>>
      %dma_start3A_317 = arith.constant 0 : i32
      %dma_start3A_318 = tpu.memref_slice %arg4[%add3A_311, %dma_start3A_317] : memref<819200x64xf32, #tpu.memory_space<hbm>> -> memref<256x64xf32, #tpu.memory_space<hbm>>
      %dma_start3A_319 = arith.constant 0 : i32
      %dma_start3A_320 = tpu.memref_slice %arg4[%add3A_311, %dma_start3A_319] : memref<819200x64xf32, #tpu.memory_space<hbm>> -> memref<256x64xf32, #tpu.memory_space<hbm>>
      %dma_start3A_321 = arith.constant 0 : i32
      %dma_start3A_322 = arith.constant 0 : i32
      %dma_start3A_323 = tpu.memref_slice %arg6[%dma_start3A_312, %dma_start3A_321, %dma_start3A_322] : memref<4x256x64xf32, #tpu.memory_space<vmem>> -> memref<1x256x64xf32, #tpu.memory_space<vmem>>
      %dma_start3A_324 = tpu.memref_squeeze %dma_start3A_323 : memref<1x256x64xf32, #tpu.memory_space<vmem>> -> memref<256x64xf32, #tpu.memory_space<vmem>>
      tpu.enqueue_dma source(%dma_start3A_324 : memref<256x64xf32, #tpu.memory_space<vmem>>) target(%dma_start3A_320 : memref<256x64xf32, #tpu.memory_space<hbm>>) target_semaphore(%arg14 : memref<!tpu.dma_semaphore, #tpu.memory_space<semaphore_mem>>)
      %mul3A_325 = arith.constant 4 : i32
      %mul3A_326 = arith.muli %scan3A_207, %mul3A_325 : i32
      %add3A_327 = arith.constant 0 : i32
      %add3A_328 = arith.addi %mul3A_326, %add3A_327 : i32
      %mul3A_329 = arith.constant 256 : i32
      %mul3A_330 = arith.muli %add3A_328, %mul3A_329 : i32
      %add3A_331 = arith.constant 1 : i32
      %add3A_332 = arith.addi %scan3A_207, %add3A_331 : i32
      %mul3A_333 = arith.constant 4 : i32
      %mul3A_334 = arith.muli %add3A_332, %mul3A_333 : i32
      %add3A_335 = arith.constant 0 : i32
      %add3A_336 = arith.addi %mul3A_334, %add3A_335 : i32
      %mul3A_337 = arith.constant 256 : i32
      %mul3A_338 = arith.muli %add3A_336, %mul3A_337 : i32
      %add3A_339 = arith.addi %mul3A_2, %mul3A_330 : i32
      %dma_wait3A_340 = arith.constant 0 : i32
      %dma_wait3A_341 = arith.constant 0 : i32
      %dma_wait3A_342 = arith.constant 0 : i32
      %dma_wait3A_343 = tpu.memref_slice %arg6[%dma_wait3A_340, %dma_wait3A_341, %dma_wait3A_342] : memref<4x256x64xf32, #tpu.memory_space<vmem>> -> memref<1x256x64xf32, #tpu.memory_space<vmem>>
      %dma_wait3A_344 = tpu.memref_squeeze %dma_wait3A_343 : memref<1x256x64xf32, #tpu.memory_space<vmem>> -> memref<256x64xf32, #tpu.memory_space<vmem>>
      %dma_wait3A_345 = arith.constant 0 : i32
      %dma_wait3A_346 = tpu.memref_slice %arg4[%add3A_339, %dma_wait3A_345] : memref<819200x64xf32, #tpu.memory_space<hbm>> -> memref<256x64xf32, #tpu.memory_space<hbm>>
      %dma_wait3A_347 = arith.constant 0 : i32
      %dma_wait3A_348 = tpu.memref_slice %arg4[%add3A_339, %dma_wait3A_347] : memref<819200x64xf32, #tpu.memory_space<hbm>> -> memref<256x64xf32, #tpu.memory_space<hbm>>
      %dma_wait3A_349 = arith.constant 0 : i32
      %dma_wait3A_350 = arith.constant 0 : i32
      %dma_wait3A_351 = tpu.memref_slice %arg6[%dma_wait3A_340, %dma_wait3A_349, %dma_wait3A_350] : memref<4x256x64xf32, #tpu.memory_space<vmem>> -> memref<1x256x64xf32, #tpu.memory_space<vmem>>
      %dma_wait3A_352 = tpu.memref_squeeze %dma_wait3A_351 : memref<1x256x64xf32, #tpu.memory_space<vmem>> -> memref<256x64xf32, #tpu.memory_space<vmem>>
      tpu.wait_dma2 semaphore(%arg11 : memref<!tpu.dma_semaphore, #tpu.memory_space<semaphore_mem>>) src(%dma_wait3A_352 : memref<256x64xf32, #tpu.memory_space<vmem>>) dst(%dma_wait3A_348 : memref<256x64xf32, #tpu.memory_space<hbm>>)
      %dma_start3A_353 = arith.constant 0 : i32
      %dma_start3A_354 = arith.constant 0 : i32
      %dma_start3A_355 = arith.constant 0 : i32
      %dma_start3A_356 = tpu.memref_slice %arg6[%dma_start3A_353, %dma_start3A_354, %dma_start3A_355] : memref<4x256x64xf32, #tpu.memory_space<vmem>> -> memref<1x256x64xf32, #tpu.memory_space<vmem>>
      %dma_start3A_357 = tpu.memref_squeeze %dma_start3A_356 : memref<1x256x64xf32, #tpu.memory_space<vmem>> -> memref<256x64xf32, #tpu.memory_space<vmem>>
      %dma_start3A_358 = tpu.memref_slice %arg5[%mul3A_338] : memref<25600xi32, #tpu.memory_space<vmem>> -> memref<256xi32, #tpu.memory_space<vmem>>
      %dma_start3A_359 = arith.constant 0 : i32
      %dma_start3A_360 = arith.constant 0 : i32
      %dma_start3A_361 = tpu.memref_slice %arg3[%dma_start3A_359, %dma_start3A_360] : memref<1000000x64xf32, #tpu.memory_space<hbm>> -> memref<1000000x64xf32, #tpu.memory_space<hbm>>
      tpu.enqueue_indirect_dma source(%dma_start3A_361 : memref<1000000x64xf32, #tpu.memory_space<hbm>>) target(%dma_start3A_357 : memref<256x64xf32, #tpu.memory_space<vmem>>) offsets(%dma_start3A_358 : memref<256xi32, #tpu.memory_space<vmem>>) semaphore(%arg7 : memref<!tpu.dma_semaphore, #tpu.memory_space<semaphore_mem>>)
      %mul3A_362 = arith.constant 4 : i32
      %mul3A_363 = arith.muli %scan3A_207, %mul3A_362 : i32
      %add3A_364 = arith.constant 1 : i32
      %add3A_365 = arith.addi %mul3A_363, %add3A_364 : i32
      %mul3A_366 = arith.constant 256 : i32
      %mul3A_367 = arith.muli %add3A_365, %mul3A_366 : i32
      %add3A_368 = arith.constant 1 : i32
      %add3A_369 = arith.addi %scan3A_207, %add3A_368 : i32
      %mul3A_370 = arith.constant 4 : i32
      %mul3A_371 = arith.muli %add3A_369, %mul3A_370 : i32
      %add3A_372 = arith.constant 1 : i32
      %add3A_373 = arith.addi %mul3A_371, %add3A_372 : i32
      %mul3A_374 = arith.constant 256 : i32
      %mul3A_375 = arith.muli %add3A_373, %mul3A_374 : i32
      %add3A_376 = arith.addi %mul3A_2, %mul3A_367 : i32
      %dma_wait3A_377 = arith.constant 1 : i32
      %dma_wait3A_378 = arith.constant 0 : i32
      %dma_wait3A_379 = arith.constant 0 : i32
      %dma_wait3A_380 = tpu.memref_slice %arg6[%dma_wait3A_377, %dma_wait3A_378, %dma_wait3A_379] : memref<4x256x64xf32, #tpu.memory_space<vmem>> -> memref<1x256x64xf32, #tpu.memory_space<vmem>>
      %dma_wait3A_381 = tpu.memref_squeeze %dma_wait3A_380 : memref<1x256x64xf32, #tpu.memory_space<vmem>> -> memref<256x64xf32, #tpu.memory_space<vmem>>
      %dma_wait3A_382 = arith.constant 0 : i32
      %dma_wait3A_383 = tpu.memref_slice %arg4[%add3A_376, %dma_wait3A_382] : memref<819200x64xf32, #tpu.memory_space<hbm>> -> memref<256x64xf32, #tpu.memory_space<hbm>>
      %dma_wait3A_384 = arith.constant 0 : i32
      %dma_wait3A_385 = tpu.memref_slice %arg4[%add3A_376, %dma_wait3A_384] : memref<819200x64xf32, #tpu.memory_space<hbm>> -> memref<256x64xf32, #tpu.memory_space<hbm>>
      %dma_wait3A_386 = arith.constant 0 : i32
      %dma_wait3A_387 = arith.constant 0 : i32
      %dma_wait3A_388 = tpu.memref_slice %arg6[%dma_wait3A_377, %dma_wait3A_386, %dma_wait3A_387] : memref<4x256x64xf32, #tpu.memory_space<vmem>> -> memref<1x256x64xf32, #tpu.memory_space<vmem>>
      %dma_wait3A_389 = tpu.memref_squeeze %dma_wait3A_388 : memref<1x256x64xf32, #tpu.memory_space<vmem>> -> memref<256x64xf32, #tpu.memory_space<vmem>>
      tpu.wait_dma2 semaphore(%arg12 : memref<!tpu.dma_semaphore, #tpu.memory_space<semaphore_mem>>) src(%dma_wait3A_389 : memref<256x64xf32, #tpu.memory_space<vmem>>) dst(%dma_wait3A_385 : memref<256x64xf32, #tpu.memory_space<hbm>>)
      %dma_start3A_390 = arith.constant 1 : i32
      %dma_start3A_391 = arith.constant 0 : i32
      %dma_start3A_392 = arith.constant 0 : i32
      %dma_start3A_393 = tpu.memref_slice %arg6[%dma_start3A_390, %dma_start3A_391, %dma_start3A_392] : memref<4x256x64xf32, #tpu.memory_space<vmem>> -> memref<1x256x64xf32, #tpu.memory_space<vmem>>
      %dma_start3A_394 = tpu.memref_squeeze %dma_start3A_393 : memref<1x256x64xf32, #tpu.memory_space<vmem>> -> memref<256x64xf32, #tpu.memory_space<vmem>>
      %dma_start3A_395 = tpu.memref_slice %arg5[%mul3A_375] : memref<25600xi32, #tpu.memory_space<vmem>> -> memref<256xi32, #tpu.memory_space<vmem>>
      %dma_start3A_396 = arith.constant 0 : i32
      %dma_start3A_397 = arith.constant 0 : i32
      %dma_start3A_398 = tpu.memref_slice %arg3[%dma_start3A_396, %dma_start3A_397] : memref<1000000x64xf32, #tpu.memory_space<hbm>> -> memref<1000000x64xf32, #tpu.memory_space<hbm>>
      tpu.enqueue_indirect_dma source(%dma_start3A_398 : memref<1000000x64xf32, #tpu.memory_space<hbm>>) target(%dma_start3A_394 : memref<256x64xf32, #tpu.memory_space<vmem>>) offsets(%dma_start3A_395 : memref<256xi32, #tpu.memory_space<vmem>>) semaphore(%arg8 : memref<!tpu.dma_semaphore, #tpu.memory_space<semaphore_mem>>)
      %mul3A_399 = arith.constant 4 : i32
      %mul3A_400 = arith.muli %scan3A_207, %mul3A_399 : i32
      %add3A_401 = arith.constant 2 : i32
      %add3A_402 = arith.addi %mul3A_400, %add3A_401 : i32
      %mul3A_403 = arith.constant 256 : i32
      %mul3A_404 = arith.muli %add3A_402, %mul3A_403 : i32
      %add3A_405 = arith.constant 1 : i32
      %add3A_406 = arith.addi %scan3A_207, %add3A_405 : i32
      %mul3A_407 = arith.constant 4 : i32
      %mul3A_408 = arith.muli %add3A_406, %mul3A_407 : i32
      %add3A_409 = arith.constant 2 : i32
      %add3A_410 = arith.addi %mul3A_408, %add3A_409 : i32
      %mul3A_411 = arith.constant 256 : i32
      %mul3A_412 = arith.muli %add3A_410, %mul3A_411 : i32
      %add3A_413 = arith.addi %mul3A_2, %mul3A_404 : i32
      %dma_wait3A_414 = arith.constant 2 : i32
      %dma_wait3A_415 = arith.constant 0 : i32
      %dma_wait3A_416 = arith.constant 0 : i32
      %dma_wait3A_417 = tpu.memref_slice %arg6[%dma_wait3A_414, %dma_wait3A_415, %dma_wait3A_416] : memref<4x256x64xf32, #tpu.memory_space<vmem>> -> memref<1x256x64xf32, #tpu.memory_space<vmem>>
      %dma_wait3A_418 = tpu.memref_squeeze %dma_wait3A_417 : memref<1x256x64xf32, #tpu.memory_space<vmem>> -> memref<256x64xf32, #tpu.memory_space<vmem>>
      %dma_wait3A_419 = arith.constant 0 : i32
      %dma_wait3A_420 = tpu.memref_slice %arg4[%add3A_413, %dma_wait3A_419] : memref<819200x64xf32, #tpu.memory_space<hbm>> -> memref<256x64xf32, #tpu.memory_space<hbm>>
      %dma_wait3A_421 = arith.constant 0 : i32
      %dma_wait3A_422 = tpu.memref_slice %arg4[%add3A_413, %dma_wait3A_421] : memref<819200x64xf32, #tpu.memory_space<hbm>> -> memref<256x64xf32, #tpu.memory_space<hbm>>
      %dma_wait3A_423 = arith.constant 0 : i32
      %dma_wait3A_424 = arith.constant 0 : i32
      %dma_wait3A_425 = tpu.memref_slice %arg6[%dma_wait3A_414, %dma_wait3A_423, %dma_wait3A_424] : memref<4x256x64xf32, #tpu.memory_space<vmem>> -> memref<1x256x64xf32, #tpu.memory_space<vmem>>
      %dma_wait3A_426 = tpu.memref_squeeze %dma_wait3A_425 : memref<1x256x64xf32, #tpu.memory_space<vmem>> -> memref<256x64xf32, #tpu.memory_space<vmem>>
      tpu.wait_dma2 semaphore(%arg13 : memref<!tpu.dma_semaphore, #tpu.memory_space<semaphore_mem>>) src(%dma_wait3A_426 : memref<256x64xf32, #tpu.memory_space<vmem>>) dst(%dma_wait3A_422 : memref<256x64xf32, #tpu.memory_space<hbm>>)
      %dma_start3A_427 = arith.constant 2 : i32
      %dma_start3A_428 = arith.constant 0 : i32
      %dma_start3A_429 = arith.constant 0 : i32
      %dma_start3A_430 = tpu.memref_slice %arg6[%dma_start3A_427, %dma_start3A_428, %dma_start3A_429] : memref<4x256x64xf32, #tpu.memory_space<vmem>> -> memref<1x256x64xf32, #tpu.memory_space<vmem>>
      %dma_start3A_431 = tpu.memref_squeeze %dma_start3A_430 : memref<1x256x64xf32, #tpu.memory_space<vmem>> -> memref<256x64xf32, #tpu.memory_space<vmem>>
      %dma_start3A_432 = tpu.memref_slice %arg5[%mul3A_412] : memref<25600xi32, #tpu.memory_space<vmem>> -> memref<256xi32, #tpu.memory_space<vmem>>
      %dma_start3A_433 = arith.constant 0 : i32
      %dma_start3A_434 = arith.constant 0 : i32
      %dma_start3A_435 = tpu.memref_slice %arg3[%dma_start3A_433, %dma_start3A_434] : memref<1000000x64xf32, #tpu.memory_space<hbm>> -> memref<1000000x64xf32, #tpu.memory_space<hbm>>
      tpu.enqueue_indirect_dma source(%dma_start3A_435 : memref<1000000x64xf32, #tpu.memory_space<hbm>>) target(%dma_start3A_431 : memref<256x64xf32, #tpu.memory_space<vmem>>) offsets(%dma_start3A_432 : memref<256xi32, #tpu.memory_space<vmem>>) semaphore(%arg9 : memref<!tpu.dma_semaphore, #tpu.memory_space<semaphore_mem>>)
      %mul3A_436 = arith.constant 4 : i32
      %mul3A_437 = arith.muli %scan3A_207, %mul3A_436 : i32
      %add3A_438 = arith.constant 3 : i32
      %add3A_439 = arith.addi %mul3A_437, %add3A_438 : i32
      %mul3A_440 = arith.constant 256 : i32
      %mul3A_441 = arith.muli %add3A_439, %mul3A_440 : i32
      %add3A_442 = arith.constant 1 : i32
      %add3A_443 = arith.addi %scan3A_207, %add3A_442 : i32
      %mul3A_444 = arith.constant 4 : i32
      %mul3A_445 = arith.muli %add3A_443, %mul3A_444 : i32
      %add3A_446 = arith.constant 3 : i32
      %add3A_447 = arith.addi %mul3A_445, %add3A_446 : i32
      %mul3A_448 = arith.constant 256 : i32
      %mul3A_449 = arith.muli %add3A_447, %mul3A_448 : i32
      %add3A_450 = arith.addi %mul3A_2, %mul3A_441 : i32
      %dma_wait3A_451 = arith.constant 3 : i32
      %dma_wait3A_452 = arith.constant 0 : i32
      %dma_wait3A_453 = arith.constant 0 : i32
      %dma_wait3A_454 = tpu.memref_slice %arg6[%dma_wait3A_451, %dma_wait3A_452, %dma_wait3A_453] : memref<4x256x64xf32, #tpu.memory_space<vmem>> -> memref<1x256x64xf32, #tpu.memory_space<vmem>>
      %dma_wait3A_455 = tpu.memref_squeeze %dma_wait3A_454 : memref<1x256x64xf32, #tpu.memory_space<vmem>> -> memref<256x64xf32, #tpu.memory_space<vmem>>
      %dma_wait3A_456 = arith.constant 0 : i32
      %dma_wait3A_457 = tpu.memref_slice %arg4[%add3A_450, %dma_wait3A_456] : memref<819200x64xf32, #tpu.memory_space<hbm>> -> memref<256x64xf32, #tpu.memory_space<hbm>>
      %dma_wait3A_458 = arith.constant 0 : i32
      %dma_wait3A_459 = tpu.memref_slice %arg4[%add3A_450, %dma_wait3A_458] : memref<819200x64xf32, #tpu.memory_space<hbm>> -> memref<256x64xf32, #tpu.memory_space<hbm>>
      %dma_wait3A_460 = arith.constant 0 : i32
      %dma_wait3A_461 = arith.constant 0 : i32
      %dma_wait3A_462 = tpu.memref_slice %arg6[%dma_wait3A_451, %dma_wait3A_460, %dma_wait3A_461] : memref<4x256x64xf32, #tpu.memory_space<vmem>> -> memref<1x256x64xf32, #tpu.memory_space<vmem>>
      %dma_wait3A_463 = tpu.memref_squeeze %dma_wait3A_462 : memref<1x256x64xf32, #tpu.memory_space<vmem>> -> memref<256x64xf32, #tpu.memory_space<vmem>>
      tpu.wait_dma2 semaphore(%arg14 : memref<!tpu.dma_semaphore, #tpu.memory_space<semaphore_mem>>) src(%dma_wait3A_463 : memref<256x64xf32, #tpu.memory_space<vmem>>) dst(%dma_wait3A_459 : memref<256x64xf32, #tpu.memory_space<hbm>>)
      %dma_start3A_464 = arith.constant 3 : i32
      %dma_start3A_465 = arith.constant 0 : i32
      %dma_start3A_466 = arith.constant 0 : i32
      %dma_start3A_467 = tpu.memref_slice %arg6[%dma_start3A_464, %dma_start3A_465, %dma_start3A_466] : memref<4x256x64xf32, #tpu.memory_space<vmem>> -> memref<1x256x64xf32, #tpu.memory_space<vmem>>
      %dma_start3A_468 = tpu.memref_squeeze %dma_start3A_467 : memref<1x256x64xf32, #tpu.memory_space<vmem>> -> memref<256x64xf32, #tpu.memory_space<vmem>>
      %dma_start3A_469 = tpu.memref_slice %arg5[%mul3A_449] : memref<25600xi32, #tpu.memory_space<vmem>> -> memref<256xi32, #tpu.memory_space<vmem>>
      %dma_start3A_470 = arith.constant 0 : i32
      %dma_start3A_471 = arith.constant 0 : i32
      %dma_start3A_472 = tpu.memref_slice %arg3[%dma_start3A_470, %dma_start3A_471] : memref<1000000x64xf32, #tpu.memory_space<hbm>> -> memref<1000000x64xf32, #tpu.memory_space<hbm>>
      tpu.enqueue_indirect_dma source(%dma_start3A_472 : memref<1000000x64xf32, #tpu.memory_space<hbm>>) target(%dma_start3A_468 : memref<256x64xf32, #tpu.memory_space<vmem>>) offsets(%dma_start3A_469 : memref<256xi32, #tpu.memory_space<vmem>>) semaphore(%arg10 : memref<!tpu.dma_semaphore, #tpu.memory_space<semaphore_mem>>)
      %scan3A_473 = arith.constant 0 : i32
      scf.yield %scan3A_473 : i32
    }
    %scan3A_47 = arith.constant 24 : i32
    %dma_wait3A = arith.constant 0 : i32
    %dma_wait3A_48 = arith.constant 0 : i32
    %dma_wait3A_49 = arith.constant 0 : i32
    %dma_wait3A_50 = tpu.memref_slice %arg6[%dma_wait3A, %dma_wait3A_48, %dma_wait3A_49] : memref<4x256x64xf32, #tpu.memory_space<vmem>> -> memref<1x256x64xf32, #tpu.memory_space<vmem>>
    %dma_wait3A_51 = tpu.memref_squeeze %dma_wait3A_50 : memref<1x256x64xf32, #tpu.memory_space<vmem>> -> memref<256x64xf32, #tpu.memory_space<vmem>>
    %dma_wait3A_52 = arith.constant 24576 : i32
    %dma_wait3A_53 = tpu.memref_slice %arg5[%dma_wait3A_52] : memref<25600xi32, #tpu.memory_space<vmem>> -> memref<256xi32, #tpu.memory_space<vmem>>
    %dma_wait3A_54 = arith.constant 0 : i32
    %dma_wait3A_55 = arith.constant 0 : i32
    %dma_wait3A_56 = tpu.memref_slice %arg3[%dma_wait3A_54, %dma_wait3A_55] : memref<1000000x64xf32, #tpu.memory_space<hbm>> -> memref<1000000x64xf32, #tpu.memory_space<hbm>>
    tpu.wait_indirect_dma semaphore(%arg7 : memref<!tpu.dma_semaphore, #tpu.memory_space<semaphore_mem>>) src(%dma_wait3A_56 : memref<1000000x64xf32, #tpu.memory_space<hbm>>) dst(%dma_wait3A_51 : memref<256x64xf32, #tpu.memory_space<vmem>>)
    %add3A_57 = arith.constant 24576 : i32
    %add3A_58 = arith.addi %mul3A_2, %add3A_57 : i32
    %dma_start3A_59 = arith.constant 0 : i32
    %dma_start3A_60 = arith.constant 0 : i32
    %dma_start3A_61 = arith.constant 0 : i32
    %dma_start3A_62 = tpu.memref_slice %arg6[%dma_start3A_59, %dma_start3A_60, %dma_start3A_61] : memref<4x256x64xf32, #tpu.memory_space<vmem>> -> memref<1x256x64xf32, #tpu.memory_space<vmem>>
    %dma_start3A_63 = tpu.memref_squeeze %dma_start3A_62 : memref<1x256x64xf32, #tpu.memory_space<vmem>> -> memref<256x64xf32, #tpu.memory_space<vmem>>
    %dma_start3A_64 = arith.constant 0 : i32
    %dma_start3A_65 = tpu.memref_slice %arg4[%add3A_58, %dma_start3A_64] : memref<819200x64xf32, #tpu.memory_space<hbm>> -> memref<256x64xf32, #tpu.memory_space<hbm>>
    %dma_start3A_66 = arith.constant 0 : i32
    %dma_start3A_67 = tpu.memref_slice %arg4[%add3A_58, %dma_start3A_66] : memref<819200x64xf32, #tpu.memory_space<hbm>> -> memref<256x64xf32, #tpu.memory_space<hbm>>
    %dma_start3A_68 = arith.constant 0 : i32
    %dma_start3A_69 = arith.constant 0 : i32
    %dma_start3A_70 = tpu.memref_slice %arg6[%dma_start3A_59, %dma_start3A_68, %dma_start3A_69] : memref<4x256x64xf32, #tpu.memory_space<vmem>> -> memref<1x256x64xf32, #tpu.memory_space<vmem>>
    %dma_start3A_71 = tpu.memref_squeeze %dma_start3A_70 : memref<1x256x64xf32, #tpu.memory_space<vmem>> -> memref<256x64xf32, #tpu.memory_space<vmem>>
    tpu.enqueue_dma source(%dma_start3A_71 : memref<256x64xf32, #tpu.memory_space<vmem>>) target(%dma_start3A_67 : memref<256x64xf32, #tpu.memory_space<hbm>>) target_semaphore(%arg11 : memref<!tpu.dma_semaphore, #tpu.memory_space<semaphore_mem>>)
    %dma_wait3A_72 = arith.constant 1 : i32
    %dma_wait3A_73 = arith.constant 0 : i32
    %dma_wait3A_74 = arith.constant 0 : i32
    %dma_wait3A_75 = tpu.memref_slice %arg6[%dma_wait3A_72, %dma_wait3A_73, %dma_wait3A_74] : memref<4x256x64xf32, #tpu.memory_space<vmem>> -> memref<1x256x64xf32, #tpu.memory_space<vmem>>
    %dma_wait3A_76 = tpu.memref_squeeze %dma_wait3A_75 : memref<1x256x64xf32, #tpu.memory_space<vmem>> -> memref<256x64xf32, #tpu.memory_space<vmem>>
    %dma_wait3A_77 = arith.constant 24832 : i32
    %dma_wait3A_78 = tpu.memref_slice %arg5[%dma_wait3A_77] : memref<25600xi32, #tpu.memory_space<vmem>> -> memref<256xi32, #tpu.memory_space<vmem>>
    %dma_wait3A_79 = arith.constant 0 : i32
    %dma_wait3A_80 = arith.constant 0 : i32
    %dma_wait3A_81 = tpu.memref_slice %arg3[%dma_wait3A_79, %dma_wait3A_80] : memref<1000000x64xf32, #tpu.memory_space<hbm>> -> memref<1000000x64xf32, #tpu.memory_space<hbm>>
    tpu.wait_indirect_dma semaphore(%arg8 : memref<!tpu.dma_semaphore, #tpu.memory_space<semaphore_mem>>) src(%dma_wait3A_81 : memref<1000000x64xf32, #tpu.memory_space<hbm>>) dst(%dma_wait3A_76 : memref<256x64xf32, #tpu.memory_space<vmem>>)
    %add3A_82 = arith.constant 24832 : i32
    %add3A_83 = arith.addi %mul3A_2, %add3A_82 : i32
    %dma_start3A_84 = arith.constant 1 : i32
    %dma_start3A_85 = arith.constant 0 : i32
    %dma_start3A_86 = arith.constant 0 : i32
    %dma_start3A_87 = tpu.memref_slice %arg6[%dma_start3A_84, %dma_start3A_85, %dma_start3A_86] : memref<4x256x64xf32, #tpu.memory_space<vmem>> -> memref<1x256x64xf32, #tpu.memory_space<vmem>>
    %dma_start3A_88 = tpu.memref_squeeze %dma_start3A_87 : memref<1x256x64xf32, #tpu.memory_space<vmem>> -> memref<256x64xf32, #tpu.memory_space<vmem>>
    %dma_start3A_89 = arith.constant 0 : i32
    %dma_start3A_90 = tpu.memref_slice %arg4[%add3A_83, %dma_start3A_89] : memref<819200x64xf32, #tpu.memory_space<hbm>> -> memref<256x64xf32, #tpu.memory_space<hbm>>
    %dma_start3A_91 = arith.constant 0 : i32
    %dma_start3A_92 = tpu.memref_slice %arg4[%add3A_83, %dma_start3A_91] : memref<819200x64xf32, #tpu.memory_space<hbm>> -> memref<256x64xf32, #tpu.memory_space<hbm>>
    %dma_start3A_93 = arith.constant 0 : i32
    %dma_start3A_94 = arith.constant 0 : i32
    %dma_start3A_95 = tpu.memref_slice %arg6[%dma_start3A_84, %dma_start3A_93, %dma_start3A_94] : memref<4x256x64xf32, #tpu.memory_space<vmem>> -> memref<1x256x64xf32, #tpu.memory_space<vmem>>
    %dma_start3A_96 = tpu.memref_squeeze %dma_start3A_95 : memref<1x256x64xf32, #tpu.memory_space<vmem>> -> memref<256x64xf32, #tpu.memory_space<vmem>>
    tpu.enqueue_dma source(%dma_start3A_96 : memref<256x64xf32, #tpu.memory_space<vmem>>) target(%dma_start3A_92 : memref<256x64xf32, #tpu.memory_space<hbm>>) target_semaphore(%arg12 : memref<!tpu.dma_semaphore, #tpu.memory_space<semaphore_mem>>)
    %dma_wait3A_97 = arith.constant 2 : i32
    %dma_wait3A_98 = arith.constant 0 : i32
    %dma_wait3A_99 = arith.constant 0 : i32
    %dma_wait3A_100 = tpu.memref_slice %arg6[%dma_wait3A_97, %dma_wait3A_98, %dma_wait3A_99] : memref<4x256x64xf32, #tpu.memory_space<vmem>> -> memref<1x256x64xf32, #tpu.memory_space<vmem>>
    %dma_wait3A_101 = tpu.memref_squeeze %dma_wait3A_100 : memref<1x256x64xf32, #tpu.memory_space<vmem>> -> memref<256x64xf32, #tpu.memory_space<vmem>>
    %dma_wait3A_102 = arith.constant 25088 : i32
    %dma_wait3A_103 = tpu.memref_slice %arg5[%dma_wait3A_102] : memref<25600xi32, #tpu.memory_space<vmem>> -> memref<256xi32, #tpu.memory_space<vmem>>
    %dma_wait3A_104 = arith.constant 0 : i32
    %dma_wait3A_105 = arith.constant 0 : i32
    %dma_wait3A_106 = tpu.memref_slice %arg3[%dma_wait3A_104, %dma_wait3A_105] : memref<1000000x64xf32, #tpu.memory_space<hbm>> -> memref<1000000x64xf32, #tpu.memory_space<hbm>>
    tpu.wait_indirect_dma semaphore(%arg9 : memref<!tpu.dma_semaphore, #tpu.memory_space<semaphore_mem>>) src(%dma_wait3A_106 : memref<1000000x64xf32, #tpu.memory_space<hbm>>) dst(%dma_wait3A_101 : memref<256x64xf32, #tpu.memory_space<vmem>>)
    %add3A_107 = arith.constant 25088 : i32
    %add3A_108 = arith.addi %mul3A_2, %add3A_107 : i32
    %dma_start3A_109 = arith.constant 2 : i32
    %dma_start3A_110 = arith.constant 0 : i32
    %dma_start3A_111 = arith.constant 0 : i32
    %dma_start3A_112 = tpu.memref_slice %arg6[%dma_start3A_109, %dma_start3A_110, %dma_start3A_111] : memref<4x256x64xf32, #tpu.memory_space<vmem>> -> memref<1x256x64xf32, #tpu.memory_space<vmem>>
    %dma_start3A_113 = tpu.memref_squeeze %dma_start3A_112 : memref<1x256x64xf32, #tpu.memory_space<vmem>> -> memref<256x64xf32, #tpu.memory_space<vmem>>
    %dma_start3A_114 = arith.constant 0 : i32
    %dma_start3A_115 = tpu.memref_slice %arg4[%add3A_108, %dma_start3A_114] : memref<819200x64xf32, #tpu.memory_space<hbm>> -> memref<256x64xf32, #tpu.memory_space<hbm>>
    %dma_start3A_116 = arith.constant 0 : i32
    %dma_start3A_117 = tpu.memref_slice %arg4[%add3A_108, %dma_start3A_116] : memref<819200x64xf32, #tpu.memory_space<hbm>> -> memref<256x64xf32, #tpu.memory_space<hbm>>
    %dma_start3A_118 = arith.constant 0 : i32
    %dma_start3A_119 = arith.constant 0 : i32
    %dma_start3A_120 = tpu.memref_slice %arg6[%dma_start3A_109, %dma_start3A_118, %dma_start3A_119] : memref<4x256x64xf32, #tpu.memory_space<vmem>> -> memref<1x256x64xf32, #tpu.memory_space<vmem>>
    %dma_start3A_121 = tpu.memref_squeeze %dma_start3A_120 : memref<1x256x64xf32, #tpu.memory_space<vmem>> -> memref<256x64xf32, #tpu.memory_space<vmem>>
    tpu.enqueue_dma source(%dma_start3A_121 : memref<256x64xf32, #tpu.memory_space<vmem>>) target(%dma_start3A_117 : memref<256x64xf32, #tpu.memory_space<hbm>>) target_semaphore(%arg13 : memref<!tpu.dma_semaphore, #tpu.memory_space<semaphore_mem>>)
    %dma_wait3A_122 = arith.constant 3 : i32
    %dma_wait3A_123 = arith.constant 0 : i32
    %dma_wait3A_124 = arith.constant 0 : i32
    %dma_wait3A_125 = tpu.memref_slice %arg6[%dma_wait3A_122, %dma_wait3A_123, %dma_wait3A_124] : memref<4x256x64xf32, #tpu.memory_space<vmem>> -> memref<1x256x64xf32, #tpu.memory_space<vmem>>
    %dma_wait3A_126 = tpu.memref_squeeze %dma_wait3A_125 : memref<1x256x64xf32, #tpu.memory_space<vmem>> -> memref<256x64xf32, #tpu.memory_space<vmem>>
    %dma_wait3A_127 = arith.constant 25344 : i32
    %dma_wait3A_128 = tpu.memref_slice %arg5[%dma_wait3A_127] : memref<25600xi32, #tpu.memory_space<vmem>> -> memref<256xi32, #tpu.memory_space<vmem>>
    %dma_wait3A_129 = arith.constant 0 : i32
    %dma_wait3A_130 = arith.constant 0 : i32
    %dma_wait3A_131 = tpu.memref_slice %arg3[%dma_wait3A_129, %dma_wait3A_130] : memref<1000000x64xf32, #tpu.memory_space<hbm>> -> memref<1000000x64xf32, #tpu.memory_space<hbm>>
    tpu.wait_indirect_dma semaphore(%arg10 : memref<!tpu.dma_semaphore, #tpu.memory_space<semaphore_mem>>) src(%dma_wait3A_131 : memref<1000000x64xf32, #tpu.memory_space<hbm>>) dst(%dma_wait3A_126 : memref<256x64xf32, #tpu.memory_space<vmem>>)
    %add3A_132 = arith.constant 25344 : i32
    %add3A_133 = arith.addi %mul3A_2, %add3A_132 : i32
    %dma_start3A_134 = arith.constant 3 : i32
    %dma_start3A_135 = arith.constant 0 : i32
    %dma_start3A_136 = arith.constant 0 : i32
    %dma_start3A_137 = tpu.memref_slice %arg6[%dma_start3A_134, %dma_start3A_135, %dma_start3A_136] : memref<4x256x64xf32, #tpu.memory_space<vmem>> -> memref<1x256x64xf32, #tpu.memory_space<vmem>>
    %dma_start3A_138 = tpu.memref_squeeze %dma_start3A_137 : memref<1x256x64xf32, #tpu.memory_space<vmem>> -> memref<256x64xf32, #tpu.memory_space<vmem>>
    %dma_start3A_139 = arith.constant 0 : i32
    %dma_start3A_140 = tpu.memref_slice %arg4[%add3A_133, %dma_start3A_139] : memref<819200x64xf32, #tpu.memory_space<hbm>> -> memref<256x64xf32, #tpu.memory_space<hbm>>
    %dma_start3A_141 = arith.constant 0 : i32
    %dma_start3A_142 = tpu.memref_slice %arg4[%add3A_133, %dma_start3A_141] : memref<819200x64xf32, #tpu.memory_space<hbm>> -> memref<256x64xf32, #tpu.memory_space<hbm>>
    %dma_start3A_143 = arith.constant 0 : i32
    %dma_start3A_144 = arith.constant 0 : i32
    %dma_start3A_145 = tpu.memref_slice %arg6[%dma_start3A_134, %dma_start3A_143, %dma_start3A_144] : memref<4x256x64xf32, #tpu.memory_space<vmem>> -> memref<1x256x64xf32, #tpu.memory_space<vmem>>
    %dma_start3A_146 = tpu.memref_squeeze %dma_start3A_145 : memref<1x256x64xf32, #tpu.memory_space<vmem>> -> memref<256x64xf32, #tpu.memory_space<vmem>>
    tpu.enqueue_dma source(%dma_start3A_146 : memref<256x64xf32, #tpu.memory_space<vmem>>) target(%dma_start3A_142 : memref<256x64xf32, #tpu.memory_space<hbm>>) target_semaphore(%arg14 : memref<!tpu.dma_semaphore, #tpu.memory_space<semaphore_mem>>)
    %add3A_147 = arith.constant 24576 : i32
    %add3A_148 = arith.addi %mul3A_2, %add3A_147 : i32
    %dma_wait3A_149 = arith.constant 0 : i32
    %dma_wait3A_150 = arith.constant 0 : i32
    %dma_wait3A_151 = arith.constant 0 : i32
    %dma_wait3A_152 = tpu.memref_slice %arg6[%dma_wait3A_149, %dma_wait3A_150, %dma_wait3A_151] : memref<4x256x64xf32, #tpu.memory_space<vmem>> -> memref<1x256x64xf32, #tpu.memory_space<vmem>>
    %dma_wait3A_153 = tpu.memref_squeeze %dma_wait3A_152 : memref<1x256x64xf32, #tpu.memory_space<vmem>> -> memref<256x64xf32, #tpu.memory_space<vmem>>
    %dma_wait3A_154 = arith.constant 0 : i32
    %dma_wait3A_155 = tpu.memref_slice %arg4[%add3A_148, %dma_wait3A_154] : memref<819200x64xf32, #tpu.memory_space<hbm>> -> memref<256x64xf32, #tpu.memory_space<hbm>>
    %dma_wait3A_156 = arith.constant 0 : i32
    %dma_wait3A_157 = tpu.memref_slice %arg4[%add3A_148, %dma_wait3A_156] : memref<819200x64xf32, #tpu.memory_space<hbm>> -> memref<256x64xf32, #tpu.memory_space<hbm>>
    %dma_wait3A_158 = arith.constant 0 : i32
    %dma_wait3A_159 = arith.constant 0 : i32
    %dma_wait3A_160 = tpu.memref_slice %arg6[%dma_wait3A_149, %dma_wait3A_158, %dma_wait3A_159] : memref<4x256x64xf32, #tpu.memory_space<vmem>> -> memref<1x256x64xf32, #tpu.memory_space<vmem>>
    %dma_wait3A_161 = tpu.memref_squeeze %dma_wait3A_160 : memref<1x256x64xf32, #tpu.memory_space<vmem>> -> memref<256x64xf32, #tpu.memory_space<vmem>>
    tpu.wait_dma2 semaphore(%arg11 : memref<!tpu.dma_semaphore, #tpu.memory_space<semaphore_mem>>) src(%dma_wait3A_161 : memref<256x64xf32, #tpu.memory_space<vmem>>) dst(%dma_wait3A_157 : memref<256x64xf32, #tpu.memory_space<hbm>>)
    %add3A_162 = arith.constant 24832 : i32
    %add3A_163 = arith.addi %mul3A_2, %add3A_162 : i32
    %dma_wait3A_164 = arith.constant 1 : i32
    %dma_wait3A_165 = arith.constant 0 : i32
    %dma_wait3A_166 = arith.constant 0 : i32
    %dma_wait3A_167 = tpu.memref_slice %arg6[%dma_wait3A_164, %dma_wait3A_165, %dma_wait3A_166] : memref<4x256x64xf32, #tpu.memory_space<vmem>> -> memref<1x256x64xf32, #tpu.memory_space<vmem>>
    %dma_wait3A_168 = tpu.memref_squeeze %dma_wait3A_167 : memref<1x256x64xf32, #tpu.memory_space<vmem>> -> memref<256x64xf32, #tpu.memory_space<vmem>>
    %dma_wait3A_169 = arith.constant 0 : i32
    %dma_wait3A_170 = tpu.memref_slice %arg4[%add3A_163, %dma_wait3A_169] : memref<819200x64xf32, #tpu.memory_space<hbm>> -> memref<256x64xf32, #tpu.memory_space<hbm>>
    %dma_wait3A_171 = arith.constant 0 : i32
    %dma_wait3A_172 = tpu.memref_slice %arg4[%add3A_163, %dma_wait3A_171] : memref<819200x64xf32, #tpu.memory_space<hbm>> -> memref<256x64xf32, #tpu.memory_space<hbm>>
    %dma_wait3A_173 = arith.constant 0 : i32
    %dma_wait3A_174 = arith.constant 0 : i32
    %dma_wait3A_175 = tpu.memref_slice %arg6[%dma_wait3A_164, %dma_wait3A_173, %dma_wait3A_174] : memref<4x256x64xf32, #tpu.memory_space<vmem>> -> memref<1x256x64xf32, #tpu.memory_space<vmem>>
    %dma_wait3A_176 = tpu.memref_squeeze %dma_wait3A_175 : memref<1x256x64xf32, #tpu.memory_space<vmem>> -> memref<256x64xf32, #tpu.memory_space<vmem>>
    tpu.wait_dma2 semaphore(%arg12 : memref<!tpu.dma_semaphore, #tpu.memory_space<semaphore_mem>>) src(%dma_wait3A_176 : memref<256x64xf32, #tpu.memory_space<vmem>>) dst(%dma_wait3A_172 : memref<256x64xf32, #tpu.memory_space<hbm>>)
    %add3A_177 = arith.constant 25088 : i32
    %add3A_178 = arith.addi %mul3A_2, %add3A_177 : i32
    %dma_wait3A_179 = arith.constant 2 : i32
    %dma_wait3A_180 = arith.constant 0 : i32
    %dma_wait3A_181 = arith.constant 0 : i32
    %dma_wait3A_182 = tpu.memref_slice %arg6[%dma_wait3A_179, %dma_wait3A_180, %dma_wait3A_181] : memref<4x256x64xf32, #tpu.memory_space<vmem>> -> memref<1x256x64xf32, #tpu.memory_space<vmem>>
    %dma_wait3A_183 = tpu.memref_squeeze %dma_wait3A_182 : memref<1x256x64xf32, #tpu.memory_space<vmem>> -> memref<256x64xf32, #tpu.memory_space<vmem>>
    %dma_wait3A_184 = arith.constant 0 : i32
    %dma_wait3A_185 = tpu.memref_slice %arg4[%add3A_178, %dma_wait3A_184] : memref<819200x64xf32, #tpu.memory_space<hbm>> -> memref<256x64xf32, #tpu.memory_space<hbm>>
    %dma_wait3A_186 = arith.constant 0 : i32
    %dma_wait3A_187 = tpu.memref_slice %arg4[%add3A_178, %dma_wait3A_186] : memref<819200x64xf32, #tpu.memory_space<hbm>> -> memref<256x64xf32, #tpu.memory_space<hbm>>
    %dma_wait3A_188 = arith.constant 0 : i32
    %dma_wait3A_189 = arith.constant 0 : i32
    %dma_wait3A_190 = tpu.memref_slice %arg6[%dma_wait3A_179, %dma_wait3A_188, %dma_wait3A_189] : memref<4x256x64xf32, #tpu.memory_space<vmem>> -> memref<1x256x64xf32, #tpu.memory_space<vmem>>
    %dma_wait3A_191 = tpu.memref_squeeze %dma_wait3A_190 : memref<1x256x64xf32, #tpu.memory_space<vmem>> -> memref<256x64xf32, #tpu.memory_space<vmem>>
    tpu.wait_dma2 semaphore(%arg13 : memref<!tpu.dma_semaphore, #tpu.memory_space<semaphore_mem>>) src(%dma_wait3A_191 : memref<256x64xf32, #tpu.memory_space<vmem>>) dst(%dma_wait3A_187 : memref<256x64xf32, #tpu.memory_space<hbm>>)
    %add3A_192 = arith.constant 25344 : i32
    %add3A_193 = arith.addi %mul3A_2, %add3A_192 : i32
    %dma_wait3A_194 = arith.constant 3 : i32
    %dma_wait3A_195 = arith.constant 0 : i32
    %dma_wait3A_196 = arith.constant 0 : i32
    %dma_wait3A_197 = tpu.memref_slice %arg6[%dma_wait3A_194, %dma_wait3A_195, %dma_wait3A_196] : memref<4x256x64xf32, #tpu.memory_space<vmem>> -> memref<1x256x64xf32, #tpu.memory_space<vmem>>
    %dma_wait3A_198 = tpu.memref_squeeze %dma_wait3A_197 : memref<1x256x64xf32, #tpu.memory_space<vmem>> -> memref<256x64xf32, #tpu.memory_space<vmem>>
    %dma_wait3A_199 = arith.constant 0 : i32
    %dma_wait3A_200 = tpu.memref_slice %arg4[%add3A_193, %dma_wait3A_199] : memref<819200x64xf32, #tpu.memory_space<hbm>> -> memref<256x64xf32, #tpu.memory_space<hbm>>
    %dma_wait3A_201 = arith.constant 0 : i32
    %dma_wait3A_202 = tpu.memref_slice %arg4[%add3A_193, %dma_wait3A_201] : memref<819200x64xf32, #tpu.memory_space<hbm>> -> memref<256x64xf32, #tpu.memory_space<hbm>>
    %dma_wait3A_203 = arith.constant 0 : i32
    %dma_wait3A_204 = arith.constant 0 : i32
    %dma_wait3A_205 = tpu.memref_slice %arg6[%dma_wait3A_194, %dma_wait3A_203, %dma_wait3A_204] : memref<4x256x64xf32, #tpu.memory_space<vmem>> -> memref<1x256x64xf32, #tpu.memory_space<vmem>>
    %dma_wait3A_206 = tpu.memref_squeeze %dma_wait3A_205 : memref<1x256x64xf32, #tpu.memory_space<vmem>> -> memref<256x64xf32, #tpu.memory_space<vmem>>
    tpu.wait_dma2 semaphore(%arg14 : memref<!tpu.dma_semaphore, #tpu.memory_space<semaphore_mem>>) src(%dma_wait3A_206 : memref<256x64xf32, #tpu.memory_space<vmem>>) dst(%dma_wait3A_202 : memref<256x64xf32, #tpu.memory_space<hbm>>)
    return
  }
}

</mosaic_0001>

<sc_bundles>
// kernel: kernel.3.cloned.1.call-start
scs
__scs_entry_jumppad:
0x0: {  	(pc) =	sbr.rel $0x88, $3  }
0x1: {  	(tag) =	ssettag $0x0;
	lr =	simm.s32 $0x1  }
0x2: {  	[smem:$0x3F9F] =	sst lr;
	_ =	strace $0xD0000000  }
0x3: {  	_ = 	snop  }
0x4: {  	_ = 	snop  }
0x5: {  	_ = 	snop  }
0x6: {  	_ = 	snop  }
0x7: {  	_ = 	snop  }
__scs_overlays_trampoline_lowered:
0x8: {  	[smem:$0x3FAE] =	sst s0  }
0x9: {  	[smem:$0x3FAF] =	sst s1  }
0xa: {  	[smem:$0x3FB0] =	sst s2  }
0xb: {  	[smem:$0x3FB1] =	sst s3  }
0xc: {  	[smem:$0x3FB2] =	sst s4  }
0xd: {  	[smem:$0x3FB3] =	sst s5  }
0xe: {  	[smem:$0x3FB4] =	sst s6  }
0xf: {  	[smem:$0x3FB5] =	sst s7  }
0x10: {  	[smem:$0x3FB6] =	sst s8  }
0x11: {  	[smem:$0x3FB7] =	sst s9;
	s0 =	simm.s32 @!p0 $0x0  }
0x12: {  	s1 =	sld [smem:$0x3F9D];
	s0 =	simm.s32 @p0 $0x1  }
0x13: {  	[smem:$0x3FB8] =	sst s0;
	s0 =	simm.s32 @!p1 $0x0  }
0x14: {  	s2 =	sld [smem:$0x3F9C];
	s0 =	simm.s32 @p1 $0x1  }
0x15: {  	[smem:$0x3FB9] =	sst s0;
	s0 =	simm.s32 @!p2 $0x0  }
0x16: {  	s3 =	sld [smem:$0x3FDB];
	s0 =	simm.s32 @p2 $0x1  }
0x17: {  	s4 =	simm.s32 $0x1BF5;
	[smem:$0x3FBB] =	sst s0  }
0x18: {  	s0 =	sld [smem:$0x3F9E];
	_ =	swait.ge [sflag:s4], $0x0  }
0x19: {  	s7 =	sld [smem:$0x3F9F]  }
0x1a: {  	s8 =	sadd.s32 $0xFFFFE003, lr  }
0x1b: {  	s9 =	sadd.s32 $0xFFFFFEF7, lr;
	s5 =	simm.s32 $0xFFFFFFFF;
	p2 =	slt.u32 s8, $0xFFFFF086  }
0x1c: {  	p1 =	slt.u32 s9, $0xF7A;
	s5 =	simm.s32 @!p2 $0x0  }
0x1d: {  	s5 =	simm.s32 @p1 $0x1;
	p0 =	seq.s32 s7, s2  }
0x1e: {  	s7 =	smul.u32 @!p0 $0xF7A, s2;
	p2 =	seq.s32 @!p0 s5, $0x0  }
0x1f: {  	s9 =	smul.u32 $0xF7A, s1;
	s8 =	simm.s32 @!p0 $0x1BF5;
	p2 =	por !p2, p0  }
0x20: {  	[sflag:s8] =	ssyncset.s32 @!p0 $0xFFFFF086;
	s6 =	sadd.s32 @!p0 s3, s7;
	s7 =	simm.s32 @!p0 $0x108  }
0x21: {  	s3 =	sadd.s32 s3, s9;
	s6 =	sadd.s32 @!p0 $0x88, s6;
	s7 =	simm.s32 @p2 $0x1082  }
0x22: {  	[simem:s7], [sflag:s8] =	dma.local @!p0 [hbm:s6], $0xF7A  }
0x23: {  	s9 =	sor.u32 $0xD0000000, s2;
	s6 =	simm.s32 $0x108;
	_ =	swait.ge @!p0 [sflag:s8], $0x0  }
0x24: {  	s3 =	sadd.s32 $0x88, s3;
	s6 =	simm.s32 @!p1 $0x1082;
	[sflag:s4] =	ssyncset.s32 $0xFFFFF086  }
0x25: {  	[simem:s6], [sflag:s4] =	dma.local [hbm:s3], $0xF7A  }
0x26: {  	[smem:$0x3F9F] =	sst s1;
	(tag) =	ssettag s2;
	_ =	strace s9  }
0x27: {  	s1 =	sld [smem:$0x3FAF]  }
0x28: {  	s2 =	sld [smem:$0x3FB0]  }
0x29: {  	s4 =	sld [smem:$0x3FB2]  }
0x2a: {  	p0 =	seq.s32 s5, $0x0;
	s5 =	sld [smem:$0x3FB3]  }
0x2b: {  	s6 =	sld [smem:$0x3FB4]  }
0x2c: {  	s7 =	sld [smem:$0x3FB5]  }
0x2d: {  	s3 =	simm.s32 $0x108;
	s8 =	sld [smem:$0x3FB6]  }
0x2e: {  	s3 =	simm.s32 @!p0 $0x1082;
	s9 =	sld [smem:$0x3FB7]  }
0x2f: {  	lr =	sadd.s32 s0, s3;
	s0 =	sld [smem:$0x3FAE]  }
0x30: {  	s3 =	sld [smem:$0x3FB1]  }
0x31: {  	[smem:$0x3FBA] =	sst s10  }
0x32: {  	s10 =	sld [smem:$0x3FB8];
	_ =	sdelay $0x3  }
0x33: {  	p0 =	seq.s32 s10, $0x1;
	s10 =	sld [smem:$0x3FBA];
	_ =	sdelay $0x3  }
0x34: {  	[smem:$0x3FBA] =	sst s10  }
0x35: {  	s10 =	sld [smem:$0x3FB9];
	_ =	sdelay $0x3  }
0x36: {  	p1 =	seq.s32 s10, $0x1;
	s10 =	sld [smem:$0x3FBA];
	_ =	sdelay $0x3  }
0x37: {  	[smem:$0x3FBA] =	sst s10  }
0x38: {  	s10 =	sld [smem:$0x3FBB]  }
0x39: {  	_ = 	snop;
	(pc) =	sbr.ind lr, $3  }
0x3a: {  	_ = 	snop  }
0x3b: {  	_ = 	snop  }
0x3c: {  	p2 =	seq.s32 s10, $0x1;
	s10 =	sld [smem:$0x3FBA]  }
0x3d: {  	_ =	shalt  }
0x3e: {  	_ =	shalt  }
0x3f: {  	_ =	shalt  }
0x40: {  	_ =	shalt  }
0x41: {  	_ =	shalt  }
0x42: {  	_ =	shalt  }
0x43: {  	_ =	shalt  }
0x44: {  	_ =	shalt  }
0x45: {  	_ =	shalt  }
0x46: {  	_ =	shalt  }
0x47: {  	_ =	shalt  }
0x48: {  	_ =	shalt  }
0x49: {  	_ =	shalt  }
0x4a: {  	_ =	shalt  }
0x4b: {  	_ =	shalt  }
0x4c: {  	_ =	shalt  }
0x4d: {  	_ =	shalt  }
0x4e: {  	_ =	shalt  }
0x4f: {  	_ =	shalt  }
0x50: {  	_ =	shalt  }
0x51: {  	_ =	shalt  }
0x52: {  	_ =	shalt  }
0x53: {  	_ =	shalt  }
0x54: {  	_ =	shalt  }
0x55: {  	_ =	shalt  }
0x56: {  	_ =	shalt  }
0x57: {  	_ =	shalt  }
0x58: {  	_ =	shalt  }
0x59: {  	_ =	shalt  }
0x5a: {  	_ =	shalt  }
0x5b: {  	_ =	shalt  }
0x5c: {  	_ =	shalt  }
0x5d: {  	_ =	shalt  }
0x5e: {  	_ =	shalt  }
0x5f: {  	_ =	shalt  }
0x60: {  	_ =	shalt  }
0x61: {  	_ =	shalt  }
0x62: {  	_ =	shalt  }
0x63: {  	_ =	shalt  }
0x64: {  	_ =	shalt  }
0x65: {  	_ =	shalt  }
0x66: {  	_ =	shalt  }
0x67: {  	_ =	shalt  }
0x68: {  	_ =	shalt  }
0x69: {  	_ =	shalt  }
0x6a: {  	_ =	shalt  }
0x6b: {  	_ =	shalt  }
0x6c: {  	_ =	shalt  }
0x6d: {  	_ =	shalt  }
0x6e: {  	_ =	shalt  }
0x6f: {  	_ =	shalt  }
0x70: {  	_ =	shalt  }
0x71: {  	_ =	shalt  }
0x72: {  	_ =	shalt  }
0x73: {  	_ =	shalt  }
0x74: {  	_ =	shalt  }
0x75: {  	_ =	shalt  }
0x76: {  	_ =	shalt  }
0x77: {  	_ =	shalt  }
0x78: {  	_ =	shalt  }
0x79: {  	_ =	shalt  }
0x7a: {  	_ =	shalt  }
0x7b: {  	_ =	shalt  }
0x7c: {  	_ =	shalt  }
0x7d: {  	_ =	shalt  }
0x7e: {  	_ =	shalt  }
0x7f: {  	_ =	shalt  }
0x80: {  	_ =	shalt  }
0x81: {  	_ =	shalt  }
0x82: {  	_ =	shalt  }
0x83: {  	_ =	shalt  }
0x84: {  	_ =	shalt  }
0x85: {  	_ =	shalt  }
0x86: {  	_ =	shalt  }
0x87: {  	_ =	shalt  }
.Lfunc_end0:
.L_simem_size_0:
called_computation.1_lowered:
.L_overlay_start_0:
0x88: {  	s2 =	sld [smem:$0x3FD9]  }
0x89: {  	s3 =	sld [smem:$0x3FFE];
	_ =	sdelay $0x1  }
0x8a: {  	s1 =	srdreg.scid  }
0x8b: {  	s0 =	sand.u32 $0x1, s1  }
0x8c: {  	s17 =	sshll.u32 s0, $0xA;
	s2 =	sadd.s32 s3, s2  }
0x8d: {  	s2 =	sadd.s32 s2, s17  }
0x8e: {  	[smem:$0x3FC6] =	sst s2  }
0x8f: {  	_ = 	snop  }
0x90: {  	s2 =	sld [smem:$0x3FD0];
	(tm) =	ssettm $0x1  }
0x91: {  	s18 =	sld [smem:$0x3FFB];
	_ =	sdelay $0x3  }
0x92: {  	_ =	strace s18  }
0x93: {  	s3 =	sld [smem:$0x3FFC];
	_ =	sdelay $0x3  }
0x94: {  	_ =	strace s3  }
0x95: {  	s3 =	sld [smem:$0x3FFD];
	_ =	sdelay $0x3  }
0x96: {  	_ =	strace s3  }
0x97: {  	_ =	strace $0x8FFFFFFF  }
0x98: {  	s19 =	sld [smem:$0x3FDB];
	_ =	sdelay $0x1  }
0x99: {  	s4 =	simm.s32 $_scs_section_size  }
0x9a: {  	s5 =	simm.s32 $_size__tile_overlayer_lowered;
	s6 =	simm.s32 $_tile_overlayer_lowered  }
0x9b: {  	s22 =	simm.s32 $0x1BFF;
	s21 =	sshll.u32 s6, $0x1;
	s3 =	sadd.s32 s4, s19  }
0x9c: {  	s7 =	simm.s32 $0x0;
	s20 =	sshll.u32 s5, $0x1;
	s5 =	sadd.s32 s21, s3  }
0x9d: {  	[timem:s7], [sflag:s22] =	dma.local [hbm:s5], s20  }
0x9e: {  	_ =	swait.ge [sflag:s22], s20  }
0x9f: {  	s4 =	ssub.s32 $0x0, s20;
	[sflag:s22] =	ssyncset.done $0x0  }
0xa0: {  	[sflag:s22] =	ssyncadd.s32 s4;
	_ =	sdelay $0x1  }
0xa1: {  	s23 =	simm.s32 $0x1B8B  }
0xa2: {  	_ =	swait.ge [sflag:s23], $0x1  }
0xa3: {  	[sflag:s23] =	ssyncset.done $0x0  }
0xa4: {  	s25 =	simm.s32 $0x1B8E;
	s24 =	sld [smem:$0x3FFE];
	[sflag:s23] =	ssyncadd.s32 $0xFFFFFFFF  }
0xa5: {  	s26 =	simm.s32 $execute0_lowered;
	[smem:$0x3FD2] =	sst s25  }
0xa6: {  	s5 =	sshll.u32 s26, $0x1;
	_ =	strace $0x80000046;
	[dreg:$0x1] =	wrdreg $0xFFFFFFFF  }
0xa7: {  	s28 =	simm.s32 $_size_execute0_lowered;
	s3 =	sadd.s32 s3, s5;
	[dreg:$0x0] =	wrdreg $0x0  }
0xa8: {  	s5 =	sshll.u32 s28, $0x1;
	[dreg:$0x2] =	wrdreg s3  }
0xa9: {  	[dreg:$0x3] =	wrdreg s5  }
0xaa: {  	[dreg:$0x4] =	wrdreg $0xC0  }
0xab: {  	_ =	task [dreg:s7], $0x5FFFF  }
0xac: {  	[dreg:$0x1] =	wrdreg $0xFFFFFFFF  }
0xad: {  	[dreg:$0x0] =	wrdreg $0x60  }
0xae: {  	[dreg:$0x2] =	wrdreg s24  }
0xaf: {  	[dreg:$0x3] =	wrdreg s2  }
0xb0: {  	[dreg:$0x4] =	wrdreg $0x9  }
0xb1: {  	_ =	task.clear_ibuf [dreg:s7], $0x5FFFF;
	_ =	strace $0x90000046  }
0xb2: {  	s29 =	simm.s32 $0x9;
	_ =	strace $0x80000048  }
0xb3: {  	_ =	swait.ge [sflag:s29], $0x1  }
0xb4: {  	[sflag:s29] =	ssyncadd.s32 $0xFFFFFFFF  }
0xb5: {  	_ =	strace $0x90000048  }
0xb6: {  	_ =	sfence  }
0xb7: {  	s30 =	sld [smem:$0x0];
	_ =	sdelay $0x2  }
0xb8: {  	s31 =	sshll.u32 s1, $0xD;
	s1 =	sshrl.u32 s1, $0x2  }
0xb9: {  	s3 =	sand.u32 $0x4000, s31;
	s1 =	sadd.s32 s1, s30  }
0xba: {  	s0 =	sor.u32 s3, s0;
	s1 =	sshll.u32 s1, $0x11  }
0xbb: {  	s0 =	sor.u32 s1, s0  }
0xbc: {  	s0 =	sadd.s32 $0x8F2B, s0  }
0xbd: {  	[sflag:s0] =	ssyncadd.remote.s32 $0x1  }
0xbe: {  	_ =	sfence.sel $0xFFFF  }
0xbf: {  	[dreg:$0x0] =	wrdreg $0xFFFFFFFF;
	(pc) =	sbr.abs _section_cstart, $3  }
0xc0: {  	[dreg:$0x1] =	wrdreg $0xFFFFFFFF  }
0xc1: {  	_ =	task.clear_ibuf [dreg:s7], $0x2FFFF;
	_ =	strace $0x9FFFFFFF  }
0xc2: {  	(tm) =	ssettm $0x7FFFFFFF  }
0xc3: {  	_ =	shalt  }
tec
execute0_lowered:
.L_overlay_start_1:
0x0: {  	(tag) =	ssettag $0x1  }
0x1: {  	s0 =	srdreg.scid;
	s3 =	rddreg [dreg:$0x0]  }
0x2: {  	s7 =	stileid.u32;
	s10 =	rddreg [dreg:$0x1]  }
0x3: {  	s2 =	simm.s32 $0x0;
	s14 =	simm.s32 $0x9;
	s15 =	simm.s32 $0x100  }
0x4: {  	s16 =	simm.s32 $0x6400;
	s17 =	simm.s32 $0xA400;
	s19 =	simm.s32 $0xE400  }
0x5: {  	s21 =	simm.s32 $0x12400;
	s22 =	simm.s32 $0x1;
	s23 =	simm.s32 $0x2  }
0x6: {  	s24 =	simm.s32 $0x3;
	s25 =	simm.s32 $0x4;
	s9 =	smul.u32 $0x320000, s7  }
0x7: {  	s28 =	simm.s32 $0x6;
	s0 =	sand.u32 $0x1, s0;
	s8 =	smul.u32 $0xC800, s7  }
0x8: {  	s29 =	simm.s32 $0x7;
	s1 =	sshll.u32 s7, $0x1;
	s12 =	smul.u32 $0x6400, s0  }
0x9: {  	s1 =	sor.u32 s0, s1;
	s5 =	ssub.s32 $0x2, s0;
	s0 =	smul.u32 $0x190000, s0  }
0xa: {  	s30 =	simm.s32 $0x8;
	s31 =	simm.s32 $0x0;
	s4 =	smul.u32 $0x6400, s1  }
0xb: {  	[smem:$0x7FF] =	sst s2;
	s1 =	smul.u32 $0x190000, s1;
	s6 =	sshrl.u32 s5, $0x1  }
0xc: {  	_ =	strace $0x80000047;
	s11 =	ssub.s32 s5, s6;
	s12 =	sadd.s32 s12, s8  }
0xd: {  	s0 =	sadd.s32 s0, s9;
	s4 =	sshrl.u32 s4, $0x3;
	s1 =	sshrl.u32 s1, $0x3  }
0xe: {  	s26 =	sshll.u32 s12, $0x3;
	s9 =	smax.u32 s11, $0x1;
	s0 =	sshrl.u32 s0, $0x3  }
0xf: {  	s4 =	sadd.s32 s4, s3;
	s3 =	sadd.s32 $0xF42E00, s3;
	s1 =	sadd.s32 s10, s1  }
0x10: {  	s4 =	sadd.s32 $0xA00, s4;
	s5 =	sadd.s32 $0x30000, s1;
	s6 =	sadd.s32 $0x30800, s1  }
0x11: {  	s7 =	sadd.s32 $0x31000, s1;
	s8 =	sadd.s32 $0x31800, s1;
	s1 =	sadd.s32 s26, s10  }
0x12: {  	s10 =	sadd.s32 s0, s10;
	s26 =	simm.s32 $0x5;
	[dreg:$0x3] =	wrdreg s4  }
0x13: {  	s11 =	sadd.s32 $0x1800, s1;
	s12 =	sadd.s32 $0x1000, s1;
	s13 =	sadd.s32 $0x800, s1  }
.LBB2_1:
0x14: {  	s0 =	rddreg [dreg:$0x3]  }
0x15: {  	[tilespmem:s2], [sflag:$0x9] =	stream.linear.gather [hbm4b:s0+s2], $0x6400, $0x38;
	[tilespmem:$0x16400] =	vst v63  }
0x16: {  	_ =	swait.ge [sflag:s14], $0x6400  }
0x17: {  	[sflag:s14] =	ssyncset.done $0x0  }
0x18: {  	[sflag:s14] =	ssyncadd.s32 $0xFFFF9C00  }
0x19: {  	[tilespmem:s16], [sflag:$0x1] =	stream.indirect.gather [hbm4b:s3+s15], $0x40, s2, s15, $0xb8;
	[tilespmem:$0x16400] =	vst v63  }
0x1a: {  	_ = 	snop  }
0x1b: {  	[tilespmem:s17], [sflag:$0x2] =	stream.indirect.gather [hbm4b:s3+s15], $0x40, s15, s15, $0xb8;
	[tilespmem:$0x16400] =	vst v63  }
0x1c: {  	s20 =	simm.s32 $0x200  }
0x1d: {  	[tilespmem:s19], [sflag:$0x3] =	stream.indirect.gather [hbm4b:s3+s15], $0x40, s20, s15, $0xb8;
	[tilespmem:$0x16400] =	vst v63  }
0x1e: {  	s1 =	simm.s32 $0x300  }
0x1f: {  	[tilespmem:s21], [sflag:$0x4] =	stream.indirect.gather [hbm4b:s3+s15], $0x40, s1, s15, $0xb8;
	[tilespmem:$0x16400] =	vst v63  }
0x20: {  	_ =	swait.ge [sflag:s22], $0x4000  }
0x21: {  	[sflag:s22] =	ssyncset.done $0x0  }
0x22: {  	s4 =	sadd.s32 $0x0, s10;
	[sflag:s22] =	ssyncadd.s32 $0xFFFFC000  }
0x23: {  	[hbm4b:s4+s2] =	stream.linear.scatter [tilespmem:s16], [sflag:$0x5], $0x4000, $0x38;
	[tilespmem:$0x16400] =	vst v63  }
0x24: {  	_ =	swait.ge [sflag:s23], $0x4000  }
0x25: {  	[sflag:s23] =	ssyncset.done $0x0  }
0x26: {  	s18 =	sadd.s32 $0x0, s13;
	[sflag:s23] =	ssyncadd.s32 $0xFFFFC000  }
0x27: {  	[hbm4b:s18+s2] =	stream.linear.scatter [tilespmem:s17], [sflag:$0x6], $0x4000, $0x38;
	[tilespmem:$0x16400] =	vst v63  }
0x28: {  	_ =	swait.ge [sflag:s24], $0x4000  }
0x29: {  	[sflag:s24] =	ssyncset.done $0x0  }
0x2a: {  	s20 =	sadd.s32 $0x0, s12;
	[sflag:s24] =	ssyncadd.s32 $0xFFFFC000  }
0x2b: {  	[hbm4b:s20+s2] =	stream.linear.scatter [tilespmem:s19], [sflag:$0x7], $0x4000, $0x38;
	[tilespmem:$0x16400] =	vst v63  }
0x2c: {  	_ =	swait.ge [sflag:s25], $0x4000  }
0x2d: {  	[sflag:s25] =	ssyncset.done $0x0  }
0x2e: {  	s1 =	sadd.s32 $0x0, s11;
	[sflag:s25] =	ssyncadd.s32 $0xFFFFC000  }
0x2f: {  	[hbm4b:s1+s2] =	stream.linear.scatter [tilespmem:s21], [sflag:$0x8], $0x4000, $0x38;
	[tilespmem:$0x16400] =	vst v63  }
0x30: {  	_ =	swait.ge [sflag:s26], $0x4000  }
0x31: {  	[sflag:s26] =	ssyncset.done $0x0  }
0x32: {  	s4 =	simm.s32 $0x400;
	[sflag:s26] =	ssyncadd.s32 $0xFFFFC000  }
0x33: {  	[tilespmem:s16], [sflag:$0x1] =	stream.indirect.gather [hbm4b:s3+s15], $0x40, s4, s15, $0xb8;
	[tilespmem:$0x16400] =	vst v63  }
0x34: {  	_ =	swait.ge [sflag:s28], $0x4000  }
0x35: {  	[sflag:s28] =	ssyncset.done $0x0  }
0x36: {  	s18 =	simm.s32 $0x500;
	[sflag:s28] =	ssyncadd.s32 $0xFFFFC000  }
0x37: {  	[tilespmem:s17], [sflag:$0x2] =	stream.indirect.gather [hbm4b:s3+s15], $0x40, s18, s15, $0xb8;
	[tilespmem:$0x16400] =	vst v63  }
0x38: {  	_ =	swait.ge [sflag:s29], $0x4000  }
0x39: {  	[sflag:s29] =	ssyncset.done $0x0  }
0x3a: {  	s20 =	simm.s32 $0x600;
	[sflag:s29] =	ssyncadd.s32 $0xFFFFC000  }
0x3b: {  	[tilespmem:s19], [sflag:$0x3] =	stream.indirect.gather [hbm4b:s3+s15], $0x40, s20, s15, $0xb8;
	[tilespmem:$0x16400] =	vst v63  }
0x3c: {  	_ =	swait.ge [sflag:s30], $0x4000  }
0x3d: {  	s0 =	simm.s32 $0x2000;
	[sflag:s30] =	ssyncset.done $0x0  }
0x3e: {  	s1 =	simm.s32 $0x700;
	s18 =	simm.s32 $0xB00;
	[sflag:s30] =	ssyncadd.s32 $0xFFFFC000  }
.LBB2_2:
0x3f: {  	[tilespmem:s21], [sflag:$0x4] =	stream.indirect.gather [hbm4b:s3+s15], $0x40, s1, s15, $0xb8;
	[tilespmem:$0x16400] =	vst v63  }
0x40: {  	s20 =	smov.u32 s0;
	s1 =	smov.u32 s18  }
0x41: {  	p0 =	sne.s32 s0, $0x2E000;
	s0 =	sadd.s32 $0x2000, s0;
	_ =	swait.ge [sflag:s22], $0x4000  }
0x42: {  	[sflag:s22] =	ssyncset.done $0x0  }
0x43: {  	s4 =	sadd.s32 s20, s10;
	[sflag:s22] =	ssyncadd.s32 $0xFFFFC000  }
0x44: {  	[hbm4b:s4+s2] =	stream.linear.scatter [tilespmem:s16], [sflag:$0x5], $0x4000, $0x38;
	[tilespmem:$0x16400] =	vst v63  }
0x45: {  	_ =	swait.ge [sflag:s23], $0x4000  }
0x46: {  	[sflag:s23] =	ssyncset.done $0x0  }
0x47: {  	s4 =	sadd.s32 s20, s13;
	[sflag:s23] =	ssyncadd.s32 $0xFFFFC000  }
0x48: {  	[hbm4b:s4+s2] =	stream.linear.scatter [tilespmem:s17], [sflag:$0x6], $0x4000, $0x38;
	[tilespmem:$0x16400] =	vst v63  }
0x49: {  	_ =	swait.ge [sflag:s24], $0x4000  }
0x4a: {  	[sflag:s24] =	ssyncset.done $0x0  }
0x4b: {  	s4 =	sadd.s32 s20, s12;
	[sflag:s24] =	ssyncadd.s32 $0xFFFFC000  }
0x4c: {  	[hbm4b:s4+s2] =	stream.linear.scatter [tilespmem:s19], [sflag:$0x7], $0x4000, $0x38;
	[tilespmem:$0x16400] =	vst v63  }
0x4d: {  	_ =	swait.ge [sflag:s25], $0x4000  }
0x4e: {  	[sflag:s25] =	ssyncset.done $0x0  }
0x4f: {  	s4 =	sadd.s32 s20, s11;
	[sflag:s25] =	ssyncadd.s32 $0xFFFFC000  }
0x50: {  	[hbm4b:s4+s2] =	stream.linear.scatter [tilespmem:s21], [sflag:$0x8], $0x4000, $0x38;
	[tilespmem:$0x16400] =	vst v63  }
0x51: {  	_ =	swait.ge [sflag:s26], $0x4000  }
0x52: {  	[sflag:s26] =	ssyncset.done $0x0  }
0x53: {  	s4 =	sadd.s32 $0xFFFFFD00, s18;
	[sflag:s26] =	ssyncadd.s32 $0xFFFFC000  }
0x54: {  	[tilespmem:s16], [sflag:$0x1] =	stream.indirect.gather [hbm4b:s3+s15], $0x40, s4, s15, $0xb8;
	[tilespmem:$0x16400] =	vst v63  }
0x55: {  	_ =	swait.ge [sflag:s28], $0x4000  }
0x56: {  	[sflag:s28] =	ssyncset.done $0x0  }
0x57: {  	s4 =	sadd.s32 $0xFFFFFE00, s18;
	[sflag:s28] =	ssyncadd.s32 $0xFFFFC000  }
0x58: {  	[tilespmem:s17], [sflag:$0x2] =	stream.indirect.gather [hbm4b:s3+s15], $0x40, s4, s15, $0xb8;
	[tilespmem:$0x16400] =	vst v63  }
0x59: {  	_ =	swait.ge [sflag:s29], $0x4000  }
0x5a: {  	[sflag:s29] =	ssyncset.done $0x0  }
.Ltmp0:
0x5b: {  	s4 =	sadd.s32 $0xFFFFFF00, s18;
	[sflag:s29] =	ssyncadd.s32 $0xFFFFC000;
	(pc) =	sbr.rel @p0 .LBB2_2-.Ltmp0, $4  }
0x5c: {  	[tilespmem:s19], [sflag:$0x3] =	stream.indirect.gather [hbm4b:s3+s15], $0x40, s4, s15, $0xb8;
	[tilespmem:$0x16400] =	vst v63  }
0x5d: {  	_ =	swait.ge [sflag:s30], $0x4000  }
0x5e: {  	[sflag:s30] =	ssyncset.done $0x0  }
0x5f: {  	s18 =	sadd.s32 $0x400, s18;
	[sflag:s30] =	ssyncadd.s32 $0xFFFFC000  }
0x60: {  	[tilespmem:s21], [sflag:$0x4] =	stream.indirect.gather [hbm4b:s3+s15], $0x40, s1, s15, $0xb8;
	[tilespmem:$0x16400] =	vst v63  }
0x61: {  	_ =	swait.ge [sflag:s22], $0x4000  }
0x62: {  	[sflag:s22] =	ssyncset.done $0x0  }
0x63: {  	[sflag:s22] =	ssyncadd.s32 $0xFFFFC000  }
0x64: {  	[hbm4b:s5+s2] =	stream.linear.scatter [tilespmem:s16], [sflag:$0x5], $0x4000, $0x38;
	[tilespmem:$0x16400] =	vst v63  }
0x65: {  	_ =	swait.ge [sflag:s23], $0x4000  }
0x66: {  	[sflag:s23] =	ssyncset.done $0x0  }
0x67: {  	[sflag:s23] =	ssyncadd.s32 $0xFFFFC000  }
0x68: {  	[hbm4b:s6+s2] =	stream.linear.scatter [tilespmem:s17], [sflag:$0x6], $0x4000, $0x38;
	[tilespmem:$0x16400] =	vst v63  }
0x69: {  	_ =	swait.ge [sflag:s24], $0x4000  }
0x6a: {  	[sflag:s24] =	ssyncset.done $0x0  }
0x6b: {  	[sflag:s24] =	ssyncadd.s32 $0xFFFFC000  }
0x6c: {  	[hbm4b:s7+s2] =	stream.linear.scatter [tilespmem:s19], [sflag:$0x7], $0x4000, $0x38;
	[tilespmem:$0x16400] =	vst v63  }
0x6d: {  	_ =	swait.ge [sflag:s25], $0x4000  }
0x6e: {  	[sflag:s25] =	ssyncset.done $0x0  }
0x6f: {  	[sflag:s25] =	ssyncadd.s32 $0xFFFFC000  }
0x70: {  	[hbm4b:s8+s2] =	stream.linear.scatter [tilespmem:s21], [sflag:$0x8], $0x4000, $0x38;
	[tilespmem:$0x16400] =	vst v63  }
0x71: {  	_ =	swait.ge [sflag:s26], $0x4000  }
0x72: {  	[sflag:s26] =	ssyncset.done $0x0  }
0x73: {  	[sflag:s26] =	ssyncadd.s32 $0xFFFFC000  }
0x74: {  	_ =	swait.ge [sflag:s28], $0x4000  }
0x75: {  	[sflag:s28] =	ssyncset.done $0x0  }
0x76: {  	s31 =	sadd.s32 $0x1, s31;
	[sflag:s28] =	ssyncadd.s32 $0xFFFFC000  }
0x77: {  	p0 =	sne.s32 s31, s9;
	_ =	swait.ge [sflag:s29], $0x4000  }
.Ltmp1:
0x78: {  	[sflag:s29] =	ssyncset.done $0x0;
	(pc) =	sbr.rel @p0 .LBB2_1-.Ltmp1, $4  }
0x79: {  	[sflag:s29] =	ssyncadd.s32 $0xFFFFC000  }
0x7a: {  	_ =	swait.ge [sflag:s30], $0x4000  }
0x7b: {  	[sflag:s30] =	ssyncset.done $0x0  }
0x7c: {  	[sflag:s30] =	ssyncadd.s32 $0xFFFFC000  }
0x7d: {  	_ =	sfence.sel $0x180000  }
0x7e: {  	[bflag:$0x0] =	sbarrier.arrive $0xFFFF  }
0x7f: {  	_ =	strace $0x90000047  }
0x80: {  	s0 =	stileid.u32;
	[bflag:$0x2] =	sbarrier.arrive $0xFFFF  }
0x81: {  	p0 =	sne.s32 s0, $0x0;
	s0 =	rddreg [dreg:$0x2]  }
0x82: {  	s0 =	sadd.s32 @!p0 $0x100000, s0  }
0x83: {  	[sflag:s0] =	ssyncadd.tile.s32 @!p0 $0x1;
	_ =	shalt  }
.Lfunc_end2:
_tile_overlayer_lowered:
.L_overlay_start_2:
0x84: {  	(tag) =	ssettag $0x2  }
0x85: {  	s0 =	rddreg [dreg:$0x0];
	s2 =	stileid.u32  }
0x86: {  	s1 =	rddreg [dreg:$0x1];
	p0 =	sne.s32 s2, $0x0  }
0x87: {  	s3 =	rddreg [dreg:$0x2];
	[bflag:$0x3] =	sbarrier.arrive $0xFFFF;
	s2 =	simm.s32 @!p0 $0x1C09  }
0x88: {  	[timem:s3], [sflag:s2] =	dma.local @!p0 [hbm:s0], s1  }
0x89: {  	s0 =	simm.s32 @!p0 $0x9  }
0x8a: {  	_ =	swait.ge @!p0 [sflag:s0], s1  }
0x8b: {  	s1 =	ssub.s32 @!p0 $0x0, s1;
	[sflag:s0] =	ssyncset.done @!p0 $0x0  }
0x8c: {  	[sflag:s0] =	ssyncadd.s32 @!p0 s1  }
0x8d: {  	[bflag:$0x3] =	sbarrier.arrive $0xFFFF  }
0x8e: {  	_ =	shalt  }

// kernel: sparse-core-data-format-call.cloned.1.call-start
scs
called_computation_lowered:
.L_overlay_start_0:
0x0: {  	s2 =	sld [smem:$0x3FD9]  }
0x1: {  	s3 =	sld [smem:$0x3FFE];
	_ =	sdelay $0x1  }
0x2: {  	s1 =	srdreg.scid  }
0x3: {  	s0 =	sand.u32 $0x1, s1  }
0x4: {  	s18 =	sshll.u32 s0, $0xA;
	s2 =	sadd.s32 s3, s2  }
0x5: {  	s2 =	sadd.s32 s2, s18  }
0x6: {  	[smem:$0x3FC6] =	sst s2  }
0x7: {  	_ = 	snop  }
0x8: {  	s2 =	sld [smem:$0x3FD0];
	(tm) =	ssettm $0x1  }
0x9: {  	s19 =	sld [smem:$0x3FFB];
	_ =	sdelay $0x3  }
0xa: {  	_ =	strace s19  }
0xb: {  	s3 =	sld [smem:$0x3FFC];
	_ =	sdelay $0x3  }
0xc: {  	_ =	strace s3  }
0xd: {  	s3 =	sld [smem:$0x3FFD];
	_ =	sdelay $0x3  }
0xe: {  	_ =	strace s3  }
0xf: {  	_ =	strace $0x8FFFFFFF  }
0x10: {  	s20 =	sld [smem:$0x3FDB];
	_ =	sdelay $0x1  }
0x11: {  	s4 =	simm.s32 $_scs_section_size  }
0x12: {  	s5 =	simm.s32 $_size__tile_overlayer_lowered;
	s6 =	simm.s32 $_tile_overlayer_lowered  }
0x13: {  	s23 =	simm.s32 $0x1BFF;
	s22 =	sshll.u32 s6, $0x1;
	s3 =	sadd.s32 s4, s20  }
0x14: {  	s7 =	simm.s32 $0x0;
	s21 =	sshll.u32 s5, $0x1;
	s5 =	sadd.s32 s22, s3  }
0x15: {  	[timem:s7], [sflag:s23] =	dma.local [hbm:s5], s21  }
0x16: {  	_ =	swait.ge [sflag:s23], s21  }
0x17: {  	s4 =	ssub.s32 $0x0, s21;
	[sflag:s23] =	ssyncset.done $0x0  }
0x18: {  	[sflag:s23] =	ssyncadd.s32 s4;
	_ =	sdelay $0x1  }
0x19: {  	s24 =	simm.s32 $0x1B8B  }
0x1a: {  	_ =	swait.ge [sflag:s24], $0x1  }
0x1b: {  	[sflag:s24] =	ssyncset.done $0x0  }
0x1c: {  	s26 =	simm.s32 $0x1B8E;
	s25 =	sld [smem:$0x3FFE];
	[sflag:s24] =	ssyncadd.s32 $0xFFFFFFFF  }
0x1d: {  	s27 =	simm.s32 $execute0_lowered;
	[smem:$0x3FD2] =	sst s26  }
0x1e: {  	s5 =	sshll.u32 s27, $0x1;
	_ =	strace $0x80000049;
	[dreg:$0x1] =	wrdreg $0xFFFFFFFF  }
0x1f: {  	s28 =	simm.s32 $_size_execute0_lowered;
	s3 =	sadd.s32 s3, s5;
	[dreg:$0x0] =	wrdreg $0x0  }
0x20: {  	s5 =	sshll.u32 s28, $0x1;
	[dreg:$0x2] =	wrdreg s3  }
0x21: {  	[dreg:$0x3] =	wrdreg s5  }
0x22: {  	[dreg:$0x4] =	wrdreg $0xC0  }
0x23: {  	_ =	task [dreg:s7], $0x5FFFF  }
0x24: {  	[dreg:$0x1] =	wrdreg $0xFFFFFFFF  }
0x25: {  	[dreg:$0x0] =	wrdreg $0x60  }
0x26: {  	[dreg:$0x2] =	wrdreg s25  }
0x27: {  	[dreg:$0x3] =	wrdreg s2  }
0x28: {  	[dreg:$0x4] =	wrdreg $0x9  }
0x29: {  	_ =	task.clear_ibuf [dreg:s7], $0x5FFFF;
	_ =	strace $0x90000049  }
0x2a: {  	s29 =	simm.s32 $0x9;
	_ =	strace $0x8000004B  }
0x2b: {  	_ =	swait.ge [sflag:s29], $0x1  }
0x2c: {  	[sflag:s29] =	ssyncadd.s32 $0xFFFFFFFF  }
0x2d: {  	_ =	strace $0x9000004B  }
0x2e: {  	_ =	sfence  }
0x2f: {  	s30 =	sld [smem:$0x0];
	_ =	sdelay $0x2  }
0x30: {  	s31 =	sshll.u32 s1, $0xD;
	s1 =	sshrl.u32 s1, $0x2  }
0x31: {  	s3 =	sand.u32 $0x4000, s31;
	s1 =	sadd.s32 s1, s30  }
0x32: {  	s0 =	sor.u32 s3, s0;
	s1 =	sshll.u32 s1, $0x11  }
0x33: {  	s0 =	sor.u32 s1, s0  }
0x34: {  	s0 =	sadd.s32 $0x8F2B, s0  }
0x35: {  	[sflag:s0] =	ssyncadd.remote.s32 $0x1  }
0x36: {  	_ =	sfence.sel $0xFFFF  }
0x37: {  	[dreg:$0x0] =	wrdreg $0xFFFFFFFF;
	(pc) =	sbr.abs _section_cstart, $3  }
0x38: {  	[dreg:$0x1] =	wrdreg $0xFFFFFFFF  }
0x39: {  	_ =	task.clear_ibuf [dreg:s7], $0x2FFFF;
	_ =	strace $0x9FFFFFFF  }
0x3a: {  	(tm) =	ssettm $0x7FFFFFFF  }
0x3b: {  	_ =	shalt  }
tec
execute0_lowered:
.L_overlay_start_1:
0x0: {  	(tag) =	ssettag $0x1  }
0x1: {  	s0 =	srdreg.scid  }
0x2: {  	s1 =	sshll.u32 s0, $0x4  }
0x3: {  	s0 =	stileid.u32;
	s1 =	sand.u32 $0x10, s1  }
0x4: {  	s1 =	sor.u32 s0, s1  }
0x5: {  	s6 =	rddreg [dreg:$0x0];
	s4 =	simm.s32 $0x1;
	s2 =	sshll.u32 s1, $0x7  }
0x6: {  	s7 =	simm.s32 $0x2;
	s12 =	simm.s32 $0x0;
	s1 =	ssub.s32 $0x4000, s2  }
0x7: {  	s8 =	simm.s32 $0x20000;
	s13 =	simm.s32 $0x0;
	s3 =	sand.u32 $0xF80, s1  }
0x8: {  	s9 =	simm.s32 $0x0;
	s5 =	sshrl.u32 s1, $0xC;
	p0 =	sne.s32 s3, $0x0  }
.Ltmp0:
0x9: {  	s1 =	rddreg [dreg:$0x2];
	s4 =	simm.s32 @!p0 $0x0;
	(pc) =	sbr.rel .LBB1_1-.Ltmp0, $4  }
0xa: {  	s11 =	simm.s32 $0x0;
	s3 =	rddreg [dreg:$0x1];
	s5 =	sadd.s32 s4, s5  }
0xb: {  	_ =	strace $0x8000004A;
	s4 =	simm.s32 $0x1;
	s5 =	smul.u32 $0x32, s5  }
0xc: {  	s6 =	sadd.s32 $0xA00, s6;
	s10 =	smov.u32 s2;
	[sflag:s4] =	ssyncpa.u1 $0x0  }
0xd: {  	p0 =	por $0x0, $0x0;
	[sflag:s7] =	ssyncpa.u1 $0x0;
	s7 =	sor.u32 $0x1, s5  }
.LBB1_4:
0xe: {  	s16 =	sshll.u32 s13, $0x3;
	s17 =	sand.u32 $0x78, s13  }
0xf: {  	s30 =	sand.u32 $0x1F800, s13;
	s12 =	sshll.u32 s12, $0x11;
	s16 =	sand.u32 $0x3C00, s16  }
0x10: {  	[tilespmem:s15+$0x810 ss:$0x81] =	vst.msk $0xffff, v2;
	s31 =	sand.u32 $0x7, s13;
	s16 =	sor.u32 s17, s16;
	s17 =	sadd.s32 s3, s30  }
0x11: {  	[tilespmem:s15+$0x1020 ss:$0x81] =	vst.msk $0xffff, v0;
	s13 =	sshll.u32 s31, $0x12;
	s12 =	sadd.s32 s12, s17;
	s16 =	sshrl.u32 s16, $0x3  }
0x12: {  	[tilespmem:s15+$0x0 ss:$0x81] =	vst.msk $0xffff, v1;
	s13 =	sor.u32 $0x400, s13;
	s12 =	sadd.s32 s16, s12  }
0x13: {  	[hbm4b:s12+s13] =	stream.strided.scatter [tilespmem:s14], [sflag:$0x2], $0x2000, s8, s13, $0x20;
	[tilespmem:$0x8080] =	vst v63  }
.LBB1_5:
0x14: {  	s14 =	sadd.s32 $0x1, s9  }
0x15: {  	s12 =	sadd.s32 $0x1000, s10;
	s16 =	smov.u32 s10;
	p2 =	sgt.s32 s14, $0x31  }
0x16: {  	s16 =	smov.u32 @p2 s12  }
0x17: {  	s14 =	simm.s32 @p2 $0x0;
	p2 =	sgt.s32 s16, $0x3FFF  }
0x18: {  	s16 =	smov.u32 @p2 s2;
	p2 =	sne.s32 s11, s7  }
.Ltmp1:
0x19: {  	p1 =	slt.u32 s11, $0x2;
	(pc) =	sbr.rel @!p2 .LBB1_6-.Ltmp1, $4  }
0x1a: {  	s15 =	simm.s32 @!p1 $0x2  }
0x1b: {  	s13 =	smov.u32 s10;
	p0 =	por !p0, !p0;
	_ =	swait.ge @!p1 [sflag:s15], $0x2000  }
0x1c: {  	s12 =	smov.u32 s9;
	[sflag:s15] =	ssyncset.done @!p1 $0x0;
	s9 =	smov.u32 s14  }
0x1d: {  	s11 =	sadd.s32 $0x1, s11;
	[sflag:s15] =	ssyncadd.s32 @!p1 $0xFFFFE000;
	s10 =	smov.u32 s16  }
.LBB1_1:
0x1e: {  	p1 =	sge.u32 s11, s5  }
0x1f: {  	s14 =	sand.u32 @!p1 $0x1FFFFFF, s9  }
0x20: {  	s15 =	smulhi.u32 @!p1 $0x4924925, s14;
	_ =	sdelay $0x1  }
0x21: {  	s15 =	smul.u32 @!p1 $0x38, s15  }
0x22: {  	s16 =	sxor.u32 @!p1 $0xFFFFFFFF, s11;
	s17 =	smul.u32 @!p1 $0x380, s10  }
0x23: {  	s31 =	sadd.s32 $0xFFFFFFFF, s11;
	s16 =	sshll.u32 @!p1 s16, $0xD;
	s14 =	ssub.s32 @!p1 s14, s15  }
0x24: {  	s15 =	sand.u32 @!p1 $0x2000, s16;
	s16 =	sadd.s32 @!p1 s6, s17;
	s14 =	sshll.u32 @!p1 s14, $0x4  }
0x25: {  	s17 =	simm.s32 @!p1 $0x1C00;
	s14 =	sadd.s32 @!p1 s14, s16;
	s16 =	simm.s32 @!p1 $0x40  }
0x26: {  	[tilespmem:s15], [sflag:$0x1] =	stream.strided.gather @!p1 [hbm4b:s14+s16], $0x2000, s17, s16, $0x38;
	[tilespmem:$0x8080] =	vst v63  }
0x27: {  	p1 =	sge.u32 s31, s5  }
.Ltmp2:
0x28: {  	_ = 	snop;
	(pc) =	sbr.rel @p1 .LBB1_5-.Ltmp2, $1  }
0x29: {  	_ =	sdelay $0x3  }
0x2a: {  	s14 =	simm.s32 $0x1  }
0x2b: {  	_ =	swait.ge [sflag:s4], $0x2000;
	s14 =	simm.s32 @!p0 $0x0  }
0x2c: {  	[sflag:s4] =	ssyncset.done $0x0;
	s15 =	sshll.u32 s14, $0xD  }
0x2d: {  	[sflag:s4] =	ssyncadd.s32 $0xFFFFE000;
	s18 =	sor.u32 $0x20, s15  }
0x2e: {  	s14 =	smul.u32 $0x8100, s14;
	v3 =	vld [tilespmem:s18+$0x10]  }
0x2f: {  	s30 =	sand.u32 $0x1, s11;
	v2 =	vld [tilespmem:s18+$0xFFFFFFF0]  }
0x30: {  	s15 =	smul.u32 $0x8100, s30;
	s14 =	sshrl.u32 s14, $0x2;
	v0 =	vld [tilespmem:s18+$0x0]  }
0x31: {  	v1 =	vld [tilespmem:s18+$0xFFFFFFE0];
	s16 =	sor.u32 $0x4000, s14  }
0x32: {  	s31 =	sshrl.u32 s15, $0x2;
	s15 =	sadd.s32 $0x0, s16  }
0x33: {  	s17 =	simm.s32 $0x4;
	s18 =	sadd.s32 $0x40, s18;
	s14 =	sor.u32 $0x4000, s31;
	[tilespmem:s15+$0x1830 ss:$0x81] =	vst.msk $0xffff, v3  }
.LBB1_3:
0x34: {  	v3 =	vld [tilespmem:s18+$0x10];
	p1 =	sne.s32 s17, $0x1FC;
	[tilespmem:s15+$0x810 ss:$0x81] =	vst.msk $0xffff, v2;
	s19 =	smov.u32 s17;
	s17 =	sadd.s32 $0x4, s17  }
.Ltmp3:
0x35: {  	v2 =	vld [tilespmem:s18+$0xFFFFFFF0];
	[tilespmem:s15+$0x1020 ss:$0x81] =	vst.msk $0xffff, v0;
	(pc) =	sbr.rel @p1 .LBB1_3-.Ltmp3, $4  }
0x36: {  	v0 =	vld [tilespmem:s18+$0x0];
	[tilespmem:s15+$0x0 ss:$0x81] =	vst.msk $0xffff, v1  }
0x37: {  	s15 =	sshra.s32 s19, $0x2;
	v1 =	vld [tilespmem:s18+$0xFFFFFFE0]  }
0x38: {  	s15 =	sadd.s32 s15, s16  }
0x39: {  	s18 =	sadd.s32 $0x40, s18;
	[tilespmem:s15+$0x1830 ss:$0x81] =	vst.msk $0xffff, v3  }
.Ltmp4:
0x3a: {  	_ = 	snop;
	(pc) =	sbr.rel .LBB1_4-.Ltmp4, $1  }
0x3b: {  	_ =	sdelay $0x3  }
.LBB1_6:
0x3c: {  	_ =	sfence.sel $0x180000  }
0x3d: {  	s2 =	simm.s32 $0x1;
	[bflag:$0x0] =	sbarrier.arrive $0xFFFF  }
0x3e: {  	s31 =	simm.s32 $0x2;
	[sflag:s2] =	ssyncpa.u1 $0x1  }
0x3f: {  	[sflag:s31] =	ssyncpa.u1 $0x1  }
0x40: {  	p0 =	sne.s32 s0, $0x0;
	_ =	strace $0x9000004A  }
0x41: {  	s0 =	sadd.s32 @!p0 $0x100000, s1;
	[bflag:$0x2] =	sbarrier.arrive $0xFFFF  }
0x42: {  	[sflag:s0] =	ssyncadd.tile.s32 @!p0 $0x1;
	_ =	shalt  }
.Lfunc_end1:
_tile_overlayer_lowered:
.L_overlay_start_2:
0x43: {  	(tag) =	ssettag $0x2  }
0x44: {  	s0 =	rddreg [dreg:$0x0];
	s2 =	stileid.u32  }
0x45: {  	s1 =	rddreg [dreg:$0x1];
	p0 =	sne.s32 s2, $0x0  }
0x46: {  	s3 =	rddreg [dreg:$0x2];
	[bflag:$0x3] =	sbarrier.arrive $0xFFFF;
	s2 =	simm.s32 @!p0 $0x1C01  }
0x47: {  	[timem:s3], [sflag:s2] =	dma.local @!p0 [hbm:s0], s1  }
0x48: {  	s0 =	simm.s32 @!p0 $0x1  }
0x49: {  	_ =	swait.ge @!p0 [sflag:s0], s1  }
0x4a: {  	s1 =	ssub.s32 @!p0 $0x0, s1;
	[sflag:s0] =	ssyncset.done @!p0 $0x0  }
0x4b: {  	[sflag:s0] =	ssyncadd.s32 @!p0 s1  }
0x4c: {  	[bflag:$0x3] =	sbarrier.arrive $0xFFFF  }
0x4d: {  	_ =	shalt  }

</sc_bundles>
